<compile_context>
chip_gen: v7x
topology: tpu7x:2x2x1
jax: 0.10.2.dev20260603
libtpu: 0.0.44.dev20260713+nightly
codegen_flags: <defaults>
</compile_context>

<pallas_src>
import functools

import jax
import jax.numpy as jnp
from jax import lax
from jax.experimental import pallas as pl
from jax.experimental.pallas import tpu as pltpu
from jax.experimental.pallas import tpu_sc as plsc

B = 4096
L = 200
V = 1000000
D = 16
H = 50
O = 3
NTOK = B * L
NW = 32
TOK_PER_W = NTOK // NW
CHUNK = 2560
NCHUNK = TOK_PER_W // CHUNK
NPACK = NTOK // 8


def _sc_gather(table, idx):
  mesh = plsc.VectorSubcoreMesh(core_axis_name="c", subcore_axis_name="s")

  @functools.partial(
      pl.kernel,
      out_type=jax.ShapeDtypeStruct((NTOK, D), jnp.float32),
      mesh=mesh,
      compiler_params=pltpu.CompilerParams(use_tc_tiling_on_sc=False),
      scratch_types=[
          pltpu.VMEM((CHUNK,), jnp.int32),
          pltpu.VMEM((CHUNK,), jnp.int32),
          pltpu.VMEM((CHUNK, D), jnp.float32),
          pltpu.VMEM((CHUNK, D), jnp.float32),
          pltpu.SemaphoreType.DMA,
          pltpu.SemaphoreType.DMA,
          pltpu.SemaphoreType.DMA,
          pltpu.SemaphoreType.DMA,
      ],
  )
  def k(table_hbm, idx_hbm, out_hbm, idx_v0, idx_v1, rows_v0, rows_v1,
        g0, g1, w0, w1):
    wid = lax.axis_index("s") * 2 + lax.axis_index("c")
    base = wid * TOK_PER_W
    idx_v = (idx_v0, idx_v1)
    rows_v = (rows_v0, rows_v1)
    gsem = (g0, g1)
    wsem = (w0, w1)

    writes = [None, None]
    for i in range(NCHUNK):
      b = i % 2
      off = base + i * CHUNK
      if writes[b] is not None:
        writes[b].wait()
        writes[b] = None
      pltpu.sync_copy(idx_hbm.at[pl.ds(off, CHUNK)], idx_v[b])
      pltpu.async_copy(table_hbm.at[idx_v[b]], rows_v[b], gsem[b]).wait()
      writes[b] = pltpu.async_copy(rows_v[b],
                                   out_hbm.at[pl.ds(off, CHUNK)], wsem[b])
    for wr in writes:
      if wr is not None:
        wr.wait()

  return k(table, idx)


def _tc_mlp_packed(emb_p, W1, b1, W2, b2):
  BT = 6400
  BB = BT // L
  BTP = BT // 8
  grid = NTOK // BT

  w1bd = jnp.kron(jnp.eye(8, dtype=jnp.float32)[::-1], W1)
  b1bd = jnp.tile(b1, 8)
  w2bd = jnp.kron(jnp.eye(8, dtype=jnp.float32), W2)
  b2bd = jnp.tile(b2, 8)
  sbd = jnp.kron(jnp.eye(8, dtype=jnp.float32),
                 jnp.ones((O, O), jnp.float32))

  def body(ep_ref, w1_ref, b1_ref, w2_ref, b2_ref, s_ref, out_ref):
    ep = ep_ref[...]
    hp = jnp.dot(ep, w1_ref[...], preferred_element_type=jnp.float32)
    hp = jnp.maximum(hp + b1_ref[...], 0.0)
    lp = jnp.dot(hp, w2_ref[...], preferred_element_type=jnp.float32)
    lp = lp + b2_ref[...]
    m = jnp.max(lp, axis=-1, keepdims=True)
    el = jnp.exp(lp - m)
    ssum = jnp.dot(el, s_ref[...], preferred_element_type=jnp.float32)
    ls = lp - m - jnp.log(ssum)
    ls = jnp.pad(ls, ((0, 0), (0, 104)))
    l3 = lax.broadcast_in_dim(ls, (BTP, 8, 128), (0, 2))
    l3 = pltpu.roll(l3, 107, 2, stride=3, stride_axis=1)
    out_ref[...] = l3.reshape(BT, 128)[:, :O].reshape(BB, L, O)

  return pl.pallas_call(
      body,
      grid=(grid,),
      in_specs=[
          pl.BlockSpec((BTP, 128), lambda i: (i, 0)),
          pl.BlockSpec((128, 8 * H), lambda i: (0, 0)),
          pl.BlockSpec((8 * H,), lambda i: (0,)),
          pl.BlockSpec((8 * H, 8 * O), lambda i: (0, 0)),
          pl.BlockSpec((8 * O,), lambda i: (0,)),
          pl.BlockSpec((8 * O, 8 * O), lambda i: (0, 0)),
      ],
      out_specs=pl.BlockSpec((BB, L, O), lambda i: (i, 0, 0)),
      out_shape=jax.ShapeDtypeStruct((B, L, O), jnp.float32),
  )(emb_p, w1bd, b1bd, w2bd, b2bd, sbd)


def kernel(x, table, W1, b1, W2, b2):
  idx = x.reshape(NTOK).astype(jnp.int32)
  emb = _sc_gather(table, idx)
  return _tc_mlp_packed(emb.reshape(NPACK, 128), W1, b1, W2, b2)

# --- scband reference (transcript-rebuilt; emitter-appended) ---
"""Pipeline reference for scband-protein-nn-9191230013718 (READ-ONLY COPY).

The authoritative reference and input builder live on the scoring server;
editing this copy changes nothing except your own understanding.
"""

import jax, jax.numpy as jnp
import numpy as np

V = 1000000
D = 16
H = 50
O = 3
B = 4096
L = 200


def setup_inputs(seed: int = 0) -> dict:
    key = jax.random.key(seed)
    ks = jax.random.split(key, 6)
    x = jax.random.randint(ks[0], (B, L), 0, V, dtype=jnp.int64 if jax.config.read('jax_enable_x64') else jnp.int32)
    table = jax.random.normal(ks[1], (V, D), dtype=jnp.float32) * 0.02
    W1 = jax.random.normal(ks[2], (D, H), dtype=jnp.float32) * (1.0 / np.sqrt(D))
    b1 = jnp.zeros((H,), dtype=jnp.float32)
    W2 = jax.random.normal(ks[3], (H, O), dtype=jnp.float32) * (1.0 / np.sqrt(H))
    b2 = jnp.zeros((O,), dtype=jnp.float32)
    return {"x": x, "table": table, "W1": W1, "b1": b1, "W2": W2, "b2": b2}


def reference(x, table, W1, b1, W2, b2):
    # nn.Embedding: gather rows of the table
    emb = jnp.take(table, x, axis=0)          # [B, L, D]
    h = jax.nn.relu(emb @ W1 + b1)             # [B, L, H]
    logits = h @ W2 + b2                       # [B, L, O]
    out = jax.nn.log_softmax(logits, axis=2)   # LogSoftmax(dim=2)
    return out

if __name__ == "__main__":
    import jax
    _d = setup_inputs()
    print(jax.jit(kernel)(*tuple(_d.values())))

</pallas_src>

<mosaic_0001>
#map = affine_map<(d0, d1) -> (0, 0)>
#map1 = affine_map<(d0, d1) -> (0)>
module attributes {stable_mosaic.version = 14 : i64} {
  func.func @k(%arg0: i32, %arg1: i32, %arg2: memref<1000000x16xf32, #tpu.memory_space<hbm>>, %arg3: memref<819200xi32, #tpu.memory_space<hbm>>, %arg4: memref<819200x16xf32, #tpu.memory_space<hbm>>, %arg5: memref<2560xi32, #tpu.memory_space<vmem>>, %arg6: memref<2560xi32, #tpu.memory_space<vmem>>, %arg7: memref<2560x16xf32, #tpu.memory_space<vmem>>, %arg8: memref<2560x16xf32, #tpu.memory_space<vmem>>, %arg9: memref<!tpu.dma_semaphore, #tpu.memory_space<semaphore_mem>>, %arg10: memref<!tpu.dma_semaphore, #tpu.memory_space<semaphore_mem>>, %arg11: memref<!tpu.dma_semaphore, #tpu.memory_space<semaphore_mem>>, %arg12: memref<!tpu.dma_semaphore, #tpu.memory_space<semaphore_mem>>) attributes {dimension_semantics = [#tpu.dimension_semantics<core_parallel>, #tpu.dimension_semantics<subcore_parallel>], iteration_bounds = array<i64: 2, 16>, scalar_prefetch = 0 : i64, scratch_operands = 8 : i64, tpu.core_type = #tpu.core_type<sc_vector_subcore>, window_params = [{transform_indices = #map}, {transform_indices = #map1}, {transform_indices = #map}]} {
    %mul3A = arith.constant 2 : i32
    %mul3A_0 = arith.muli %arg1, %mul3A : i32
    %add3A = arith.addi %mul3A_0, %arg0 : i32
    %mul3A_1 = arith.constant 25600 : i32
    %mul3A_2 = arith.muli %add3A, %mul3A_1 : i32
    %add3A_3 = arith.constant 0 : i32
    %add3A_4 = arith.addi %mul3A_2, %add3A_3 : i32
    "tpu.region"() ({
      %run_scoped3A = tpu.sem_alloc : memref<!tpu.dma_semaphore, #tpu.memory_space<semaphore_mem>>
      %dma_start3A_161 = tpu.memref_slice %arg3[%add3A_4] : memref<819200xi32, #tpu.memory_space<hbm>> -> memref<2560xi32, #tpu.memory_space<hbm>>
      %dma_start3A_162 = tpu.memref_slice %arg3[%add3A_4] : memref<819200xi32, #tpu.memory_space<hbm>> -> memref<2560xi32, #tpu.memory_space<hbm>>
      tpu.enqueue_dma source(%dma_start3A_162 : memref<2560xi32, #tpu.memory_space<hbm>>) target(%arg5 : memref<2560xi32, #tpu.memory_space<vmem>>) target_semaphore(%run_scoped3A : memref<!tpu.dma_semaphore, #tpu.memory_space<semaphore_mem>>)
      %dma_wait3A_163 = tpu.memref_slice %arg3[%add3A_4] : memref<819200xi32, #tpu.memory_space<hbm>> -> memref<2560xi32, #tpu.memory_space<hbm>>
      %dma_wait3A_164 = tpu.memref_slice %arg3[%add3A_4] : memref<819200xi32, #tpu.memory_space<hbm>> -> memref<2560xi32, #tpu.memory_space<hbm>>
      tpu.wait_dma2 semaphore(%run_scoped3A : memref<!tpu.dma_semaphore, #tpu.memory_space<semaphore_mem>>) src(%dma_wait3A_164 : memref<2560xi32, #tpu.memory_space<hbm>>) dst(%arg5 : memref<2560xi32, #tpu.memory_space<vmem>>)
      tpu.yield
    }) : () -> ()
    %dma_start3A = arith.constant 0 : i32
    %dma_start3A_5 = arith.constant 0 : i32
    %dma_start3A_6 = tpu.memref_slice %arg2[%dma_start3A, %dma_start3A_5] : memref<1000000x16xf32, #tpu.memory_space<hbm>> -> memref<1000000x16xf32, #tpu.memory_space<hbm>>
    tpu.enqueue_indirect_dma source(%dma_start3A_6 : memref<1000000x16xf32, #tpu.memory_space<hbm>>) target(%arg7 : memref<2560x16xf32, #tpu.memory_space<vmem>>) offsets(%arg5 : memref<2560xi32, #tpu.memory_space<vmem>>) semaphore(%arg9 : memref<!tpu.dma_semaphore, #tpu.memory_space<semaphore_mem>>)
    %dma_wait3A = arith.constant 0 : i32
    %dma_wait3A_7 = arith.constant 0 : i32
    %dma_wait3A_8 = tpu.memref_slice %arg2[%dma_wait3A, %dma_wait3A_7] : memref<1000000x16xf32, #tpu.memory_space<hbm>> -> memref<1000000x16xf32, #tpu.memory_space<hbm>>
    tpu.wait_indirect_dma semaphore(%arg9 : memref<!tpu.dma_semaphore, #tpu.memory_space<semaphore_mem>>) src(%dma_wait3A_8 : memref<1000000x16xf32, #tpu.memory_space<hbm>>) dst(%arg7 : memref<2560x16xf32, #tpu.memory_space<vmem>>)
    %dma_start3A_9 = arith.constant 0 : i32
    %dma_start3A_10 = tpu.memref_slice %arg4[%add3A_4, %dma_start3A_9] : memref<819200x16xf32, #tpu.memory_space<hbm>> -> memref<2560x16xf32, #tpu.memory_space<hbm>>
    %dma_start3A_11 = arith.constant 0 : i32
    %dma_start3A_12 = tpu.memref_slice %arg4[%add3A_4, %dma_start3A_11] : memref<819200x16xf32, #tpu.memory_space<hbm>> -> memref<2560x16xf32, #tpu.memory_space<hbm>>
    tpu.enqueue_dma source(%arg7 : memref<2560x16xf32, #tpu.memory_space<vmem>>) target(%dma_start3A_12 : memref<2560x16xf32, #tpu.memory_space<hbm>>) target_semaphore(%arg11 : memref<!tpu.dma_semaphore, #tpu.memory_space<semaphore_mem>>)
    %add3A_13 = arith.constant 2560 : i32
    %add3A_14 = arith.addi %mul3A_2, %add3A_13 : i32
    "tpu.region"() ({
      %run_scoped3A = tpu.sem_alloc : memref<!tpu.dma_semaphore, #tpu.memory_space<semaphore_mem>>
      %dma_start3A_161 = tpu.memref_slice %arg3[%add3A_14] : memref<819200xi32, #tpu.memory_space<hbm>> -> memref<2560xi32, #tpu.memory_space<hbm>>
      %dma_start3A_162 = tpu.memref_slice %arg3[%add3A_14] : memref<819200xi32, #tpu.memory_space<hbm>> -> memref<2560xi32, #tpu.memory_space<hbm>>
      tpu.enqueue_dma source(%dma_start3A_162 : memref<2560xi32, #tpu.memory_space<hbm>>) target(%arg6 : memref<2560xi32, #tpu.memory_space<vmem>>) target_semaphore(%run_scoped3A : memref<!tpu.dma_semaphore, #tpu.memory_space<semaphore_mem>>)
      %dma_wait3A_163 = tpu.memref_slice %arg3[%add3A_14] : memref<819200xi32, #tpu.memory_space<hbm>> -> memref<2560xi32, #tpu.memory_space<hbm>>
      %dma_wait3A_164 = tpu.memref_slice %arg3[%add3A_14] : memref<819200xi32, #tpu.memory_space<hbm>> -> memref<2560xi32, #tpu.memory_space<hbm>>
      tpu.wait_dma2 semaphore(%run_scoped3A : memref<!tpu.dma_semaphore, #tpu.memory_space<semaphore_mem>>) src(%dma_wait3A_164 : memref<2560xi32, #tpu.memory_space<hbm>>) dst(%arg6 : memref<2560xi32, #tpu.memory_space<vmem>>)
      tpu.yield
    }) : () -> ()
    %dma_start3A_15 = arith.constant 0 : i32
    %dma_start3A_16 = arith.constant 0 : i32
    %dma_start3A_17 = tpu.memref_slice %arg2[%dma_start3A_15, %dma_start3A_16] : memref<1000000x16xf32, #tpu.memory_space<hbm>> -> memref<1000000x16xf32, #tpu.memory_space<hbm>>
    tpu.enqueue_indirect_dma source(%dma_start3A_17 : memref<1000000x16xf32, #tpu.memory_space<hbm>>) target(%arg8 : memref<2560x16xf32, #tpu.memory_space<vmem>>) offsets(%arg6 : memref<2560xi32, #tpu.memory_space<vmem>>) semaphore(%arg10 : memref<!tpu.dma_semaphore, #tpu.memory_space<semaphore_mem>>)
    %dma_wait3A_18 = arith.constant 0 : i32
    %dma_wait3A_19 = arith.constant 0 : i32
    %dma_wait3A_20 = tpu.memref_slice %arg2[%dma_wait3A_18, %dma_wait3A_19] : memref<1000000x16xf32, #tpu.memory_space<hbm>> -> memref<1000000x16xf32, #tpu.memory_space<hbm>>
    tpu.wait_indirect_dma semaphore(%arg10 : memref<!tpu.dma_semaphore, #tpu.memory_space<semaphore_mem>>) src(%dma_wait3A_20 : memref<1000000x16xf32, #tpu.memory_space<hbm>>) dst(%arg8 : memref<2560x16xf32, #tpu.memory_space<vmem>>)
    %dma_start3A_21 = arith.constant 0 : i32
    %dma_start3A_22 = tpu.memref_slice %arg4[%add3A_14, %dma_start3A_21] : memref<819200x16xf32, #tpu.memory_space<hbm>> -> memref<2560x16xf32, #tpu.memory_space<hbm>>
    %dma_start3A_23 = arith.constant 0 : i32
    %dma_start3A_24 = tpu.memref_slice %arg4[%add3A_14, %dma_start3A_23] : memref<819200x16xf32, #tpu.memory_space<hbm>> -> memref<2560x16xf32, #tpu.memory_space<hbm>>
    tpu.enqueue_dma source(%arg8 : memref<2560x16xf32, #tpu.memory_space<vmem>>) target(%dma_start3A_24 : memref<2560x16xf32, #tpu.memory_space<hbm>>) target_semaphore(%arg12 : memref<!tpu.dma_semaphore, #tpu.memory_space<semaphore_mem>>)
    %add3A_25 = arith.constant 5120 : i32
    %add3A_26 = arith.addi %mul3A_2, %add3A_25 : i32
    %dma_wait3A_27 = arith.constant 0 : i32
    %dma_wait3A_28 = tpu.memref_slice %arg4[%add3A_4, %dma_wait3A_27] : memref<819200x16xf32, #tpu.memory_space<hbm>> -> memref<2560x16xf32, #tpu.memory_space<hbm>>
    %dma_wait3A_29 = arith.constant 0 : i32
    %dma_wait3A_30 = tpu.memref_slice %arg4[%add3A_4, %dma_wait3A_29] : memref<819200x16xf32, #tpu.memory_space<hbm>> -> memref<2560x16xf32, #tpu.memory_space<hbm>>
    tpu.wait_dma2 semaphore(%arg11 : memref<!tpu.dma_semaphore, #tpu.memory_space<semaphore_mem>>) src(%arg7 : memref<2560x16xf32, #tpu.memory_space<vmem>>) dst(%dma_wait3A_30 : memref<2560x16xf32, #tpu.memory_space<hbm>>)
    "tpu.region"() ({
      %run_scoped3A = tpu.sem_alloc : memref<!tpu.dma_semaphore, #tpu.memory_space<semaphore_mem>>
      %dma_start3A_161 = tpu.memref_slice %arg3[%add3A_26] : memref<819200xi32, #tpu.memory_space<hbm>> -> memref<2560xi32, #tpu.memory_space<hbm>>
      %dma_start3A_162 = tpu.memref_slice %arg3[%add3A_26] : memref<819200xi32, #tpu.memory_space<hbm>> -> memref<2560xi32, #tpu.memory_space<hbm>>
      tpu.enqueue_dma source(%dma_start3A_162 : memref<2560xi32, #tpu.memory_space<hbm>>) target(%arg5 : memref<2560xi32, #tpu.memory_space<vmem>>) target_semaphore(%run_scoped3A : memref<!tpu.dma_semaphore, #tpu.memory_space<semaphore_mem>>)
      %dma_wait3A_163 = tpu.memref_slice %arg3[%add3A_26] : memref<819200xi32, #tpu.memory_space<hbm>> -> memref<2560xi32, #tpu.memory_space<hbm>>
      %dma_wait3A_164 = tpu.memref_slice %arg3[%add3A_26] : memref<819200xi32, #tpu.memory_space<hbm>> -> memref<2560xi32, #tpu.memory_space<hbm>>
      tpu.wait_dma2 semaphore(%run_scoped3A : memref<!tpu.dma_semaphore, #tpu.memory_space<semaphore_mem>>) src(%dma_wait3A_164 : memref<2560xi32, #tpu.memory_space<hbm>>) dst(%arg5 : memref<2560xi32, #tpu.memory_space<vmem>>)
      tpu.yield
    }) : () -> ()
    %dma_start3A_31 = arith.constant 0 : i32
    %dma_start3A_32 = arith.constant 0 : i32
    %dma_start3A_33 = tpu.memref_slice %arg2[%dma_start3A_31, %dma_start3A_32] : memref<1000000x16xf32, #tpu.memory_space<hbm>> -> memref<1000000x16xf32, #tpu.memory_space<hbm>>
    tpu.enqueue_indirect_dma source(%dma_start3A_33 : memref<1000000x16xf32, #tpu.memory_space<hbm>>) target(%arg7 : memref<2560x16xf32, #tpu.memory_space<vmem>>) offsets(%arg5 : memref<2560xi32, #tpu.memory_space<vmem>>) semaphore(%arg9 : memref<!tpu.dma_semaphore, #tpu.memory_space<semaphore_mem>>)
    %dma_wait3A_34 = arith.constant 0 : i32
    %dma_wait3A_35 = arith.constant 0 : i32
    %dma_wait3A_36 = tpu.memref_slice %arg2[%dma_wait3A_34, %dma_wait3A_35] : memref<1000000x16xf32, #tpu.memory_space<hbm>> -> memref<1000000x16xf32, #tpu.memory_space<hbm>>
    tpu.wait_indirect_dma semaphore(%arg9 : memref<!tpu.dma_semaphore, #tpu.memory_space<semaphore_mem>>) src(%dma_wait3A_36 : memref<1000000x16xf32, #tpu.memory_space<hbm>>) dst(%arg7 : memref<2560x16xf32, #tpu.memory_space<vmem>>)
    %dma_start3A_37 = arith.constant 0 : i32
    %dma_start3A_38 = tpu.memref_slice %arg4[%add3A_26, %dma_start3A_37] : memref<819200x16xf32, #tpu.memory_space<hbm>> -> memref<2560x16xf32, #tpu.memory_space<hbm>>
    %dma_start3A_39 = arith.constant 0 : i32
    %dma_start3A_40 = tpu.memref_slice %arg4[%add3A_26, %dma_start3A_39] : memref<819200x16xf32, #tpu.memory_space<hbm>> -> memref<2560x16xf32, #tpu.memory_space<hbm>>
    tpu.enqueue_dma source(%arg7 : memref<2560x16xf32, #tpu.memory_space<vmem>>) target(%dma_start3A_40 : memref<2560x16xf32, #tpu.memory_space<hbm>>) target_semaphore(%arg11 : memref<!tpu.dma_semaphore, #tpu.memory_space<semaphore_mem>>)
    %add3A_41 = arith.constant 7680 : i32
    %add3A_42 = arith.addi %mul3A_2, %add3A_41 : i32
    %dma_wait3A_43 = arith.constant 0 : i32
    %dma_wait3A_44 = tpu.memref_slice %arg4[%add3A_14, %dma_wait3A_43] : memref<819200x16xf32, #tpu.memory_space<hbm>> -> memref<2560x16xf32, #tpu.memory_space<hbm>>
    %dma_wait3A_45 = arith.constant 0 : i32
    %dma_wait3A_46 = tpu.memref_slice %arg4[%add3A_14, %dma_wait3A_45] : memref<819200x16xf32, #tpu.memory_space<hbm>> -> memref<2560x16xf32, #tpu.memory_space<hbm>>
    tpu.wait_dma2 semaphore(%arg12 : memref<!tpu.dma_semaphore, #tpu.memory_space<semaphore_mem>>) src(%arg8 : memref<2560x16xf32, #tpu.memory_space<vmem>>) dst(%dma_wait3A_46 : memref<2560x16xf32, #tpu.memory_space<hbm>>)
    "tpu.region"() ({
      %run_scoped3A = tpu.sem_alloc : memref<!tpu.dma_semaphore, #tpu.memory_space<semaphore_mem>>
      %dma_start3A_161 = tpu.memref_slice %arg3[%add3A_42] : memref<819200xi32, #tpu.memory_space<hbm>> -> memref<2560xi32, #tpu.memory_space<hbm>>
      %dma_start3A_162 = tpu.memref_slice %arg3[%add3A_42] : memref<819200xi32, #tpu.memory_space<hbm>> -> memref<2560xi32, #tpu.memory_space<hbm>>
      tpu.enqueue_dma source(%dma_start3A_162 : memref<2560xi32, #tpu.memory_space<hbm>>) target(%arg6 : memref<2560xi32, #tpu.memory_space<vmem>>) target_semaphore(%run_scoped3A : memref<!tpu.dma_semaphore, #tpu.memory_space<semaphore_mem>>)
      %dma_wait3A_163 = tpu.memref_slice %arg3[%add3A_42] : memref<819200xi32, #tpu.memory_space<hbm>> -> memref<2560xi32, #tpu.memory_space<hbm>>
      %dma_wait3A_164 = tpu.memref_slice %arg3[%add3A_42] : memref<819200xi32, #tpu.memory_space<hbm>> -> memref<2560xi32, #tpu.memory_space<hbm>>
      tpu.wait_dma2 semaphore(%run_scoped3A : memref<!tpu.dma_semaphore, #tpu.memory_space<semaphore_mem>>) src(%dma_wait3A_164 : memref<2560xi32, #tpu.memory_space<hbm>>) dst(%arg6 : memref<2560xi32, #tpu.memory_space<vmem>>)
      tpu.yield
    }) : () -> ()
    %dma_start3A_47 = arith.constant 0 : i32
    %dma_start3A_48 = arith.constant 0 : i32
    %dma_start3A_49 = tpu.memref_slice %arg2[%dma_start3A_47, %dma_start3A_48] : memref<1000000x16xf32, #tpu.memory_space<hbm>> -> memref<1000000x16xf32, #tpu.memory_space<hbm>>
    tpu.enqueue_indirect_dma source(%dma_start3A_49 : memref<1000000x16xf32, #tpu.memory_space<hbm>>) target(%arg8 : memref<2560x16xf32, #tpu.memory_space<vmem>>) offsets(%arg6 : memref<2560xi32, #tpu.memory_space<vmem>>) semaphore(%arg10 : memref<!tpu.dma_semaphore, #tpu.memory_space<semaphore_mem>>)
    %dma_wait3A_50 = arith.constant 0 : i32
    %dma_wait3A_51 = arith.constant 0 : i32
    %dma_wait3A_52 = tpu.memref_slice %arg2[%dma_wait3A_50, %dma_wait3A_51] : memref<1000000x16xf32, #tpu.memory_space<hbm>> -> memref<1000000x16xf32, #tpu.memory_space<hbm>>
    tpu.wait_indirect_dma semaphore(%arg10 : memref<!tpu.dma_semaphore, #tpu.memory_space<semaphore_mem>>) src(%dma_wait3A_52 : memref<1000000x16xf32, #tpu.memory_space<hbm>>) dst(%arg8 : memref<2560x16xf32, #tpu.memory_space<vmem>>)
    %dma_start3A_53 = arith.constant 0 : i32
    %dma_start3A_54 = tpu.memref_slice %arg4[%add3A_42, %dma_start3A_53] : memref<819200x16xf32, #tpu.memory_space<hbm>> -> memref<2560x16xf32, #tpu.memory_space<hbm>>
    %dma_start3A_55 = arith.constant 0 : i32
    %dma_start3A_56 = tpu.memref_slice %arg4[%add3A_42, %dma_start3A_55] : memref<819200x16xf32, #tpu.memory_space<hbm>> -> memref<2560x16xf32, #tpu.memory_space<hbm>>
    tpu.enqueue_dma source(%arg8 : memref<2560x16xf32, #tpu.memory_space<vmem>>) target(%dma_start3A_56 : memref<2560x16xf32, #tpu.memory_space<hbm>>) target_semaphore(%arg12 : memref<!tpu.dma_semaphore, #tpu.memory_space<semaphore_mem>>)
    %add3A_57 = arith.constant 10240 : i32
    %add3A_58 = arith.addi %mul3A_2, %add3A_57 : i32
    %dma_wait3A_59 = arith.constant 0 : i32
    %dma_wait3A_60 = tpu.memref_slice %arg4[%add3A_26, %dma_wait3A_59] : memref<819200x16xf32, #tpu.memory_space<hbm>> -> memref<2560x16xf32, #tpu.memory_space<hbm>>
    %dma_wait3A_61 = arith.constant 0 : i32
    %dma_wait3A_62 = tpu.memref_slice %arg4[%add3A_26, %dma_wait3A_61] : memref<819200x16xf32, #tpu.memory_space<hbm>> -> memref<2560x16xf32, #tpu.memory_space<hbm>>
    tpu.wait_dma2 semaphore(%arg11 : memref<!tpu.dma_semaphore, #tpu.memory_space<semaphore_mem>>) src(%arg7 : memref<2560x16xf32, #tpu.memory_space<vmem>>) dst(%dma_wait3A_62 : memref<2560x16xf32, #tpu.memory_space<hbm>>)
    "tpu.region"() ({
      %run_scoped3A = tpu.sem_alloc : memref<!tpu.dma_semaphore, #tpu.memory_space<semaphore_mem>>
      %dma_start3A_161 = tpu.memref_slice %arg3[%add3A_58] : memref<819200xi32, #tpu.memory_space<hbm>> -> memref<2560xi32, #tpu.memory_space<hbm>>
      %dma_start3A_162 = tpu.memref_slice %arg3[%add3A_58] : memref<819200xi32, #tpu.memory_space<hbm>> -> memref<2560xi32, #tpu.memory_space<hbm>>
      tpu.enqueue_dma source(%dma_start3A_162 : memref<2560xi32, #tpu.memory_space<hbm>>) target(%arg5 : memref<2560xi32, #tpu.memory_space<vmem>>) target_semaphore(%run_scoped3A : memref<!tpu.dma_semaphore, #tpu.memory_space<semaphore_mem>>)
      %dma_wait3A_163 = tpu.memref_slice %arg3[%add3A_58] : memref<819200xi32, #tpu.memory_space<hbm>> -> memref<2560xi32, #tpu.memory_space<hbm>>
      %dma_wait3A_164 = tpu.memref_slice %arg3[%add3A_58] : memref<819200xi32, #tpu.memory_space<hbm>> -> memref<2560xi32, #tpu.memory_space<hbm>>
      tpu.wait_dma2 semaphore(%run_scoped3A : memref<!tpu.dma_semaphore, #tpu.memory_space<semaphore_mem>>) src(%dma_wait3A_164 : memref<2560xi32, #tpu.memory_space<hbm>>) dst(%arg5 : memref<2560xi32, #tpu.memory_space<vmem>>)
      tpu.yield
    }) : () -> ()
    %dma_start3A_63 = arith.constant 0 : i32
    %dma_start3A_64 = arith.constant 0 : i32
    %dma_start3A_65 = tpu.memref_slice %arg2[%dma_start3A_63, %dma_start3A_64] : memref<1000000x16xf32, #tpu.memory_space<hbm>> -> memref<1000000x16xf32, #tpu.memory_space<hbm>>
    tpu.enqueue_indirect_dma source(%dma_start3A_65 : memref<1000000x16xf32, #tpu.memory_space<hbm>>) target(%arg7 : memref<2560x16xf32, #tpu.memory_space<vmem>>) offsets(%arg5 : memref<2560xi32, #tpu.memory_space<vmem>>) semaphore(%arg9 : memref<!tpu.dma_semaphore, #tpu.memory_space<semaphore_mem>>)
    %dma_wait3A_66 = arith.constant 0 : i32
    %dma_wait3A_67 = arith.constant 0 : i32
    %dma_wait3A_68 = tpu.memref_slice %arg2[%dma_wait3A_66, %dma_wait3A_67] : memref<1000000x16xf32, #tpu.memory_space<hbm>> -> memref<1000000x16xf32, #tpu.memory_space<hbm>>
    tpu.wait_indirect_dma semaphore(%arg9 : memref<!tpu.dma_semaphore, #tpu.memory_space<semaphore_mem>>) src(%dma_wait3A_68 : memref<1000000x16xf32, #tpu.memory_space<hbm>>) dst(%arg7 : memref<2560x16xf32, #tpu.memory_space<vmem>>)
    %dma_start3A_69 = arith.constant 0 : i32
    %dma_start3A_70 = tpu.memref_slice %arg4[%add3A_58, %dma_start3A_69] : memref<819200x16xf32, #tpu.memory_space<hbm>> -> memref<2560x16xf32, #tpu.memory_space<hbm>>
    %dma_start3A_71 = arith.constant 0 : i32
    %dma_start3A_72 = tpu.memref_slice %arg4[%add3A_58, %dma_start3A_71] : memref<819200x16xf32, #tpu.memory_space<hbm>> -> memref<2560x16xf32, #tpu.memory_space<hbm>>
    tpu.enqueue_dma source(%arg7 : memref<2560x16xf32, #tpu.memory_space<vmem>>) target(%dma_start3A_72 : memref<2560x16xf32, #tpu.memory_space<hbm>>) target_semaphore(%arg11 : memref<!tpu.dma_semaphore, #tpu.memory_space<semaphore_mem>>)
    %add3A_73 = arith.constant 12800 : i32
    %add3A_74 = arith.addi %mul3A_2, %add3A_73 : i32
    %dma_wait3A_75 = arith.constant 0 : i32
    %dma_wait3A_76 = tpu.memref_slice %arg4[%add3A_42, %dma_wait3A_75] : memref<819200x16xf32, #tpu.memory_space<hbm>> -> memref<2560x16xf32, #tpu.memory_space<hbm>>
    %dma_wait3A_77 = arith.constant 0 : i32
    %dma_wait3A_78 = tpu.memref_slice %arg4[%add3A_42, %dma_wait3A_77] : memref<819200x16xf32, #tpu.memory_space<hbm>> -> memref<2560x16xf32, #tpu.memory_space<hbm>>
    tpu.wait_dma2 semaphore(%arg12 : memref<!tpu.dma_semaphore, #tpu.memory_space<semaphore_mem>>) src(%arg8 : memref<2560x16xf32, #tpu.memory_space<vmem>>) dst(%dma_wait3A_78 : memref<2560x16xf32, #tpu.memory_space<hbm>>)
    "tpu.region"() ({
      %run_scoped3A = tpu.sem_alloc : memref<!tpu.dma_semaphore, #tpu.memory_space<semaphore_mem>>
      %dma_start3A_161 = tpu.memref_slice %arg3[%add3A_74] : memref<819200xi32, #tpu.memory_space<hbm>> -> memref<2560xi32, #tpu.memory_space<hbm>>
      %dma_start3A_162 = tpu.memref_slice %arg3[%add3A_74] : memref<819200xi32, #tpu.memory_space<hbm>> -> memref<2560xi32, #tpu.memory_space<hbm>>
      tpu.enqueue_dma source(%dma_start3A_162 : memref<2560xi32, #tpu.memory_space<hbm>>) target(%arg6 : memref<2560xi32, #tpu.memory_space<vmem>>) target_semaphore(%run_scoped3A : memref<!tpu.dma_semaphore, #tpu.memory_space<semaphore_mem>>)
      %dma_wait3A_163 = tpu.memref_slice %arg3[%add3A_74] : memref<819200xi32, #tpu.memory_space<hbm>> -> memref<2560xi32, #tpu.memory_space<hbm>>
      %dma_wait3A_164 = tpu.memref_slice %arg3[%add3A_74] : memref<819200xi32, #tpu.memory_space<hbm>> -> memref<2560xi32, #tpu.memory_space<hbm>>
      tpu.wait_dma2 semaphore(%run_scoped3A : memref<!tpu.dma_semaphore, #tpu.memory_space<semaphore_mem>>) src(%dma_wait3A_164 : memref<2560xi32, #tpu.memory_space<hbm>>) dst(%arg6 : memref<2560xi32, #tpu.memory_space<vmem>>)
      tpu.yield
    }) : () -> ()
    %dma_start3A_79 = arith.constant 0 : i32
    %dma_start3A_80 = arith.constant 0 : i32
    %dma_start3A_81 = tpu.memref_slice %arg2[%dma_start3A_79, %dma_start3A_80] : memref<1000000x16xf32, #tpu.memory_space<hbm>> -> memref<1000000x16xf32, #tpu.memory_space<hbm>>
    tpu.enqueue_indirect_dma source(%dma_start3A_81 : memref<1000000x16xf32, #tpu.memory_space<hbm>>) target(%arg8 : memref<2560x16xf32, #tpu.memory_space<vmem>>) offsets(%arg6 : memref<2560xi32, #tpu.memory_space<vmem>>) semaphore(%arg10 : memref<!tpu.dma_semaphore, #tpu.memory_space<semaphore_mem>>)
    %dma_wait3A_82 = arith.constant 0 : i32
    %dma_wait3A_83 = arith.constant 0 : i32
    %dma_wait3A_84 = tpu.memref_slice %arg2[%dma_wait3A_82, %dma_wait3A_83] : memref<1000000x16xf32, #tpu.memory_space<hbm>> -> memref<1000000x16xf32, #tpu.memory_space<hbm>>
    tpu.wait_indirect_dma semaphore(%arg10 : memref<!tpu.dma_semaphore, #tpu.memory_space<semaphore_mem>>) src(%dma_wait3A_84 : memref<1000000x16xf32, #tpu.memory_space<hbm>>) dst(%arg8 : memref<2560x16xf32, #tpu.memory_space<vmem>>)
    %dma_start3A_85 = arith.constant 0 : i32
    %dma_start3A_86 = tpu.memref_slice %arg4[%add3A_74, %dma_start3A_85] : memref<819200x16xf32, #tpu.memory_space<hbm>> -> memref<2560x16xf32, #tpu.memory_space<hbm>>
    %dma_start3A_87 = arith.constant 0 : i32
    %dma_start3A_88 = tpu.memref_slice %arg4[%add3A_74, %dma_start3A_87] : memref<819200x16xf32, #tpu.memory_space<hbm>> -> memref<2560x16xf32, #tpu.memory_space<hbm>>
    tpu.enqueue_dma source(%arg8 : memref<2560x16xf32, #tpu.memory_space<vmem>>) target(%dma_start3A_88 : memref<2560x16xf32, #tpu.memory_space<hbm>>) target_semaphore(%arg12 : memref<!tpu.dma_semaphore, #tpu.memory_space<semaphore_mem>>)
    %add3A_89 = arith.constant 15360 : i32
    %add3A_90 = arith.addi %mul3A_2, %add3A_89 : i32
    %dma_wait3A_91 = arith.constant 0 : i32
    %dma_wait3A_92 = tpu.memref_slice %arg4[%add3A_58, %dma_wait3A_91] : memref<819200x16xf32, #tpu.memory_space<hbm>> -> memref<2560x16xf32, #tpu.memory_space<hbm>>
    %dma_wait3A_93 = arith.constant 0 : i32
    %dma_wait3A_94 = tpu.memref_slice %arg4[%add3A_58, %dma_wait3A_93] : memref<819200x16xf32, #tpu.memory_space<hbm>> -> memref<2560x16xf32, #tpu.memory_space<hbm>>
    tpu.wait_dma2 semaphore(%arg11 : memref<!tpu.dma_semaphore, #tpu.memory_space<semaphore_mem>>) src(%arg7 : memref<2560x16xf32, #tpu.memory_space<vmem>>) dst(%dma_wait3A_94 : memref<2560x16xf32, #tpu.memory_space<hbm>>)
    "tpu.region"() ({
      %run_scoped3A = tpu.sem_alloc : memref<!tpu.dma_semaphore, #tpu.memory_space<semaphore_mem>>
      %dma_start3A_161 = tpu.memref_slice %arg3[%add3A_90] : memref<819200xi32, #tpu.memory_space<hbm>> -> memref<2560xi32, #tpu.memory_space<hbm>>
      %dma_start3A_162 = tpu.memref_slice %arg3[%add3A_90] : memref<819200xi32, #tpu.memory_space<hbm>> -> memref<2560xi32, #tpu.memory_space<hbm>>
      tpu.enqueue_dma source(%dma_start3A_162 : memref<2560xi32, #tpu.memory_space<hbm>>) target(%arg5 : memref<2560xi32, #tpu.memory_space<vmem>>) target_semaphore(%run_scoped3A : memref<!tpu.dma_semaphore, #tpu.memory_space<semaphore_mem>>)
      %dma_wait3A_163 = tpu.memref_slice %arg3[%add3A_90] : memref<819200xi32, #tpu.memory_space<hbm>> -> memref<2560xi32, #tpu.memory_space<hbm>>
      %dma_wait3A_164 = tpu.memref_slice %arg3[%add3A_90] : memref<819200xi32, #tpu.memory_space<hbm>> -> memref<2560xi32, #tpu.memory_space<hbm>>
      tpu.wait_dma2 semaphore(%run_scoped3A : memref<!tpu.dma_semaphore, #tpu.memory_space<semaphore_mem>>) src(%dma_wait3A_164 : memref<2560xi32, #tpu.memory_space<hbm>>) dst(%arg5 : memref<2560xi32, #tpu.memory_space<vmem>>)
      tpu.yield
    }) : () -> ()
    %dma_start3A_95 = arith.constant 0 : i32
    %dma_start3A_96 = arith.constant 0 : i32
    %dma_start3A_97 = tpu.memref_slice %arg2[%dma_start3A_95, %dma_start3A_96] : memref<1000000x16xf32, #tpu.memory_space<hbm>> -> memref<1000000x16xf32, #tpu.memory_space<hbm>>
    tpu.enqueue_indirect_dma source(%dma_start3A_97 : memref<1000000x16xf32, #tpu.memory_space<hbm>>) target(%arg7 : memref<2560x16xf32, #tpu.memory_space<vmem>>) offsets(%arg5 : memref<2560xi32, #tpu.memory_space<vmem>>) semaphore(%arg9 : memref<!tpu.dma_semaphore, #tpu.memory_space<semaphore_mem>>)
    %dma_wait3A_98 = arith.constant 0 : i32
    %dma_wait3A_99 = arith.constant 0 : i32
    %dma_wait3A_100 = tpu.memref_slice %arg2[%dma_wait3A_98, %dma_wait3A_99] : memref<1000000x16xf32, #tpu.memory_space<hbm>> -> memref<1000000x16xf32, #tpu.memory_space<hbm>>
    tpu.wait_indirect_dma semaphore(%arg9 : memref<!tpu.dma_semaphore, #tpu.memory_space<semaphore_mem>>) src(%dma_wait3A_100 : memref<1000000x16xf32, #tpu.memory_space<hbm>>) dst(%arg7 : memref<2560x16xf32, #tpu.memory_space<vmem>>)
    %dma_start3A_101 = arith.constant 0 : i32
    %dma_start3A_102 = tpu.memref_slice %arg4[%add3A_90, %dma_start3A_101] : memref<819200x16xf32, #tpu.memory_space<hbm>> -> memref<2560x16xf32, #tpu.memory_space<hbm>>
    %dma_start3A_103 = arith.constant 0 : i32
    %dma_start3A_104 = tpu.memref_slice %arg4[%add3A_90, %dma_start3A_103] : memref<819200x16xf32, #tpu.memory_space<hbm>> -> memref<2560x16xf32, #tpu.memory_space<hbm>>
    tpu.enqueue_dma source(%arg7 : memref<2560x16xf32, #tpu.memory_space<vmem>>) target(%dma_start3A_104 : memref<2560x16xf32, #tpu.memory_space<hbm>>) target_semaphore(%arg11 : memref<!tpu.dma_semaphore, #tpu.memory_space<semaphore_mem>>)
    %add3A_105 = arith.constant 17920 : i32
    %add3A_106 = arith.addi %mul3A_2, %add3A_105 : i32
    %dma_wait3A_107 = arith.constant 0 : i32
    %dma_wait3A_108 = tpu.memref_slice %arg4[%add3A_74, %dma_wait3A_107] : memref<819200x16xf32, #tpu.memory_space<hbm>> -> memref<2560x16xf32, #tpu.memory_space<hbm>>
    %dma_wait3A_109 = arith.constant 0 : i32
    %dma_wait3A_110 = tpu.memref_slice %arg4[%add3A_74, %dma_wait3A_109] : memref<819200x16xf32, #tpu.memory_space<hbm>> -> memref<2560x16xf32, #tpu.memory_space<hbm>>
    tpu.wait_dma2 semaphore(%arg12 : memref<!tpu.dma_semaphore, #tpu.memory_space<semaphore_mem>>) src(%arg8 : memref<2560x16xf32, #tpu.memory_space<vmem>>) dst(%dma_wait3A_110 : memref<2560x16xf32, #tpu.memory_space<hbm>>)
    "tpu.region"() ({
      %run_scoped3A = tpu.sem_alloc : memref<!tpu.dma_semaphore, #tpu.memory_space<semaphore_mem>>
      %dma_start3A_161 = tpu.memref_slice %arg3[%add3A_106] : memref<819200xi32, #tpu.memory_space<hbm>> -> memref<2560xi32, #tpu.memory_space<hbm>>
      %dma_start3A_162 = tpu.memref_slice %arg3[%add3A_106] : memref<819200xi32, #tpu.memory_space<hbm>> -> memref<2560xi32, #tpu.memory_space<hbm>>
      tpu.enqueue_dma source(%dma_start3A_162 : memref<2560xi32, #tpu.memory_space<hbm>>) target(%arg6 : memref<2560xi32, #tpu.memory_space<vmem>>) target_semaphore(%run_scoped3A : memref<!tpu.dma_semaphore, #tpu.memory_space<semaphore_mem>>)
      %dma_wait3A_163 = tpu.memref_slice %arg3[%add3A_106] : memref<819200xi32, #tpu.memory_space<hbm>> -> memref<2560xi32, #tpu.memory_space<hbm>>
      %dma_wait3A_164 = tpu.memref_slice %arg3[%add3A_106] : memref<819200xi32, #tpu.memory_space<hbm>> -> memref<2560xi32, #tpu.memory_space<hbm>>
      tpu.wait_dma2 semaphore(%run_scoped3A : memref<!tpu.dma_semaphore, #tpu.memory_space<semaphore_mem>>) src(%dma_wait3A_164 : memref<2560xi32, #tpu.memory_space<hbm>>) dst(%arg6 : memref<2560xi32, #tpu.memory_space<vmem>>)
      tpu.yield
    }) : () -> ()
    %dma_start3A_111 = arith.constant 0 : i32
    %dma_start3A_112 = arith.constant 0 : i32
    %dma_start3A_113 = tpu.memref_slice %arg2[%dma_start3A_111, %dma_start3A_112] : memref<1000000x16xf32, #tpu.memory_space<hbm>> -> memref<1000000x16xf32, #tpu.memory_space<hbm>>
    tpu.enqueue_indirect_dma source(%dma_start3A_113 : memref<1000000x16xf32, #tpu.memory_space<hbm>>) target(%arg8 : memref<2560x16xf32, #tpu.memory_space<vmem>>) offsets(%arg6 : memref<2560xi32, #tpu.memory_space<vmem>>) semaphore(%arg10 : memref<!tpu.dma_semaphore, #tpu.memory_space<semaphore_mem>>)
    %dma_wait3A_114 = arith.constant 0 : i32
    %dma_wait3A_115 = arith.constant 0 : i32
    %dma_wait3A_116 = tpu.memref_slice %arg2[%dma_wait3A_114, %dma_wait3A_115] : memref<1000000x16xf32, #tpu.memory_space<hbm>> -> memref<1000000x16xf32, #tpu.memory_space<hbm>>
    tpu.wait_indirect_dma semaphore(%arg10 : memref<!tpu.dma_semaphore, #tpu.memory_space<semaphore_mem>>) src(%dma_wait3A_116 : memref<1000000x16xf32, #tpu.memory_space<hbm>>) dst(%arg8 : memref<2560x16xf32, #tpu.memory_space<vmem>>)
    %dma_start3A_117 = arith.constant 0 : i32
    %dma_start3A_118 = tpu.memref_slice %arg4[%add3A_106, %dma_start3A_117] : memref<819200x16xf32, #tpu.memory_space<hbm>> -> memref<2560x16xf32, #tpu.memory_space<hbm>>
    %dma_start3A_119 = arith.constant 0 : i32
    %dma_start3A_120 = tpu.memref_slice %arg4[%add3A_106, %dma_start3A_119] : memref<819200x16xf32, #tpu.memory_space<hbm>> -> memref<2560x16xf32, #tpu.memory_space<hbm>>
    tpu.enqueue_dma source(%arg8 : memref<2560x16xf32, #tpu.memory_space<vmem>>) target(%dma_start3A_120 : memref<2560x16xf32, #tpu.memory_space<hbm>>) target_semaphore(%arg12 : memref<!tpu.dma_semaphore, #tpu.memory_space<semaphore_mem>>)
    %add3A_121 = arith.constant 20480 : i32
    %add3A_122 = arith.addi %mul3A_2, %add3A_121 : i32
    %dma_wait3A_123 = arith.constant 0 : i32
    %dma_wait3A_124 = tpu.memref_slice %arg4[%add3A_90, %dma_wait3A_123] : memref<819200x16xf32, #tpu.memory_space<hbm>> -> memref<2560x16xf32, #tpu.memory_space<hbm>>
    %dma_wait3A_125 = arith.constant 0 : i32
    %dma_wait3A_126 = tpu.memref_slice %arg4[%add3A_90, %dma_wait3A_125] : memref<819200x16xf32, #tpu.memory_space<hbm>> -> memref<2560x16xf32, #tpu.memory_space<hbm>>
    tpu.wait_dma2 semaphore(%arg11 : memref<!tpu.dma_semaphore, #tpu.memory_space<semaphore_mem>>) src(%arg7 : memref<2560x16xf32, #tpu.memory_space<vmem>>) dst(%dma_wait3A_126 : memref<2560x16xf32, #tpu.memory_space<hbm>>)
    "tpu.region"() ({
      %run_scoped3A = tpu.sem_alloc : memref<!tpu.dma_semaphore, #tpu.memory_space<semaphore_mem>>
      %dma_start3A_161 = tpu.memref_slice %arg3[%add3A_122] : memref<819200xi32, #tpu.memory_space<hbm>> -> memref<2560xi32, #tpu.memory_space<hbm>>
      %dma_start3A_162 = tpu.memref_slice %arg3[%add3A_122] : memref<819200xi32, #tpu.memory_space<hbm>> -> memref<2560xi32, #tpu.memory_space<hbm>>
      tpu.enqueue_dma source(%dma_start3A_162 : memref<2560xi32, #tpu.memory_space<hbm>>) target(%arg5 : memref<2560xi32, #tpu.memory_space<vmem>>) target_semaphore(%run_scoped3A : memref<!tpu.dma_semaphore, #tpu.memory_space<semaphore_mem>>)
      %dma_wait3A_163 = tpu.memref_slice %arg3[%add3A_122] : memref<819200xi32, #tpu.memory_space<hbm>> -> memref<2560xi32, #tpu.memory_space<hbm>>
      %dma_wait3A_164 = tpu.memref_slice %arg3[%add3A_122] : memref<819200xi32, #tpu.memory_space<hbm>> -> memref<2560xi32, #tpu.memory_space<hbm>>
      tpu.wait_dma2 semaphore(%run_scoped3A : memref<!tpu.dma_semaphore, #tpu.memory_space<semaphore_mem>>) src(%dma_wait3A_164 : memref<2560xi32, #tpu.memory_space<hbm>>) dst(%arg5 : memref<2560xi32, #tpu.memory_space<vmem>>)
      tpu.yield
    }) : () -> ()
    %dma_start3A_127 = arith.constant 0 : i32
    %dma_start3A_128 = arith.constant 0 : i32
    %dma_start3A_129 = tpu.memref_slice %arg2[%dma_start3A_127, %dma_start3A_128] : memref<1000000x16xf32, #tpu.memory_space<hbm>> -> memref<1000000x16xf32, #tpu.memory_space<hbm>>
    tpu.enqueue_indirect_dma source(%dma_start3A_129 : memref<1000000x16xf32, #tpu.memory_space<hbm>>) target(%arg7 : memref<2560x16xf32, #tpu.memory_space<vmem>>) offsets(%arg5 : memref<2560xi32, #tpu.memory_space<vmem>>) semaphore(%arg9 : memref<!tpu.dma_semaphore, #tpu.memory_space<semaphore_mem>>)
    %dma_wait3A_130 = arith.constant 0 : i32
    %dma_wait3A_131 = arith.constant 0 : i32
    %dma_wait3A_132 = tpu.memref_slice %arg2[%dma_wait3A_130, %dma_wait3A_131] : memref<1000000x16xf32, #tpu.memory_space<hbm>> -> memref<1000000x16xf32, #tpu.memory_space<hbm>>
    tpu.wait_indirect_dma semaphore(%arg9 : memref<!tpu.dma_semaphore, #tpu.memory_space<semaphore_mem>>) src(%dma_wait3A_132 : memref<1000000x16xf32, #tpu.memory_space<hbm>>) dst(%arg7 : memref<2560x16xf32, #tpu.memory_space<vmem>>)
    %dma_start3A_133 = arith.constant 0 : i32
    %dma_start3A_134 = tpu.memref_slice %arg4[%add3A_122, %dma_start3A_133] : memref<819200x16xf32, #tpu.memory_space<hbm>> -> memref<2560x16xf32, #tpu.memory_space<hbm>>
    %dma_start3A_135 = arith.constant 0 : i32
    %dma_start3A_136 = tpu.memref_slice %arg4[%add3A_122, %dma_start3A_135] : memref<819200x16xf32, #tpu.memory_space<hbm>> -> memref<2560x16xf32, #tpu.memory_space<hbm>>
    tpu.enqueue_dma source(%arg7 : memref<2560x16xf32, #tpu.memory_space<vmem>>) target(%dma_start3A_136 : memref<2560x16xf32, #tpu.memory_space<hbm>>) target_semaphore(%arg11 : memref<!tpu.dma_semaphore, #tpu.memory_space<semaphore_mem>>)
    %add3A_137 = arith.constant 23040 : i32
    %add3A_138 = arith.addi %mul3A_2, %add3A_137 : i32
    %dma_wait3A_139 = arith.constant 0 : i32
    %dma_wait3A_140 = tpu.memref_slice %arg4[%add3A_106, %dma_wait3A_139] : memref<819200x16xf32, #tpu.memory_space<hbm>> -> memref<2560x16xf32, #tpu.memory_space<hbm>>
    %dma_wait3A_141 = arith.constant 0 : i32
    %dma_wait3A_142 = tpu.memref_slice %arg4[%add3A_106, %dma_wait3A_141] : memref<819200x16xf32, #tpu.memory_space<hbm>> -> memref<2560x16xf32, #tpu.memory_space<hbm>>
    tpu.wait_dma2 semaphore(%arg12 : memref<!tpu.dma_semaphore, #tpu.memory_space<semaphore_mem>>) src(%arg8 : memref<2560x16xf32, #tpu.memory_space<vmem>>) dst(%dma_wait3A_142 : memref<2560x16xf32, #tpu.memory_space<hbm>>)
    "tpu.region"() ({
      %run_scoped3A = tpu.sem_alloc : memref<!tpu.dma_semaphore, #tpu.memory_space<semaphore_mem>>
      %dma_start3A_161 = tpu.memref_slice %arg3[%add3A_138] : memref<819200xi32, #tpu.memory_space<hbm>> -> memref<2560xi32, #tpu.memory_space<hbm>>
      %dma_start3A_162 = tpu.memref_slice %arg3[%add3A_138] : memref<819200xi32, #tpu.memory_space<hbm>> -> memref<2560xi32, #tpu.memory_space<hbm>>
      tpu.enqueue_dma source(%dma_start3A_162 : memref<2560xi32, #tpu.memory_space<hbm>>) target(%arg6 : memref<2560xi32, #tpu.memory_space<vmem>>) target_semaphore(%run_scoped3A : memref<!tpu.dma_semaphore, #tpu.memory_space<semaphore_mem>>)
      %dma_wait3A_163 = tpu.memref_slice %arg3[%add3A_138] : memref<819200xi32, #tpu.memory_space<hbm>> -> memref<2560xi32, #tpu.memory_space<hbm>>
      %dma_wait3A_164 = tpu.memref_slice %arg3[%add3A_138] : memref<819200xi32, #tpu.memory_space<hbm>> -> memref<2560xi32, #tpu.memory_space<hbm>>
      tpu.wait_dma2 semaphore(%run_scoped3A : memref<!tpu.dma_semaphore, #tpu.memory_space<semaphore_mem>>) src(%dma_wait3A_164 : memref<2560xi32, #tpu.memory_space<hbm>>) dst(%arg6 : memref<2560xi32, #tpu.memory_space<vmem>>)
      tpu.yield
    }) : () -> ()
    %dma_start3A_143 = arith.constant 0 : i32
    %dma_start3A_144 = arith.constant 0 : i32
    %dma_start3A_145 = tpu.memref_slice %arg2[%dma_start3A_143, %dma_start3A_144] : memref<1000000x16xf32, #tpu.memory_space<hbm>> -> memref<1000000x16xf32, #tpu.memory_space<hbm>>
    tpu.enqueue_indirect_dma source(%dma_start3A_145 : memref<1000000x16xf32, #tpu.memory_space<hbm>>) target(%arg8 : memref<2560x16xf32, #tpu.memory_space<vmem>>) offsets(%arg6 : memref<2560xi32, #tpu.memory_space<vmem>>) semaphore(%arg10 : memref<!tpu.dma_semaphore, #tpu.memory_space<semaphore_mem>>)
    %dma_wait3A_146 = arith.constant 0 : i32
    %dma_wait3A_147 = arith.constant 0 : i32
    %dma_wait3A_148 = tpu.memref_slice %arg2[%dma_wait3A_146, %dma_wait3A_147] : memref<1000000x16xf32, #tpu.memory_space<hbm>> -> memref<1000000x16xf32, #tpu.memory_space<hbm>>
    tpu.wait_indirect_dma semaphore(%arg10 : memref<!tpu.dma_semaphore, #tpu.memory_space<semaphore_mem>>) src(%dma_wait3A_148 : memref<1000000x16xf32, #tpu.memory_space<hbm>>) dst(%arg8 : memref<2560x16xf32, #tpu.memory_space<vmem>>)
    %dma_start3A_149 = arith.constant 0 : i32
    %dma_start3A_150 = tpu.memref_slice %arg4[%add3A_138, %dma_start3A_149] : memref<819200x16xf32, #tpu.memory_space<hbm>> -> memref<2560x16xf32, #tpu.memory_space<hbm>>
    %dma_start3A_151 = arith.constant 0 : i32
    %dma_start3A_152 = tpu.memref_slice %arg4[%add3A_138, %dma_start3A_151] : memref<819200x16xf32, #tpu.memory_space<hbm>> -> memref<2560x16xf32, #tpu.memory_space<hbm>>
    tpu.enqueue_dma source(%arg8 : memref<2560x16xf32, #tpu.memory_space<vmem>>) target(%dma_start3A_152 : memref<2560x16xf32, #tpu.memory_space<hbm>>) target_semaphore(%arg12 : memref<!tpu.dma_semaphore, #tpu.memory_space<semaphore_mem>>)
    %dma_wait3A_153 = arith.constant 0 : i32
    %dma_wait3A_154 = tpu.memref_slice %arg4[%add3A_122, %dma_wait3A_153] : memref<819200x16xf32, #tpu.memory_space<hbm>> -> memref<2560x16xf32, #tpu.memory_space<hbm>>
    %dma_wait3A_155 = arith.constant 0 : i32
    %dma_wait3A_156 = tpu.memref_slice %arg4[%add3A_122, %dma_wait3A_155] : memref<819200x16xf32, #tpu.memory_space<hbm>> -> memref<2560x16xf32, #tpu.memory_space<hbm>>
    tpu.wait_dma2 semaphore(%arg11 : memref<!tpu.dma_semaphore, #tpu.memory_space<semaphore_mem>>) src(%arg7 : memref<2560x16xf32, #tpu.memory_space<vmem>>) dst(%dma_wait3A_156 : memref<2560x16xf32, #tpu.memory_space<hbm>>)
    %dma_wait3A_157 = arith.constant 0 : i32
    %dma_wait3A_158 = tpu.memref_slice %arg4[%add3A_138, %dma_wait3A_157] : memref<819200x16xf32, #tpu.memory_space<hbm>> -> memref<2560x16xf32, #tpu.memory_space<hbm>>
    %dma_wait3A_159 = arith.constant 0 : i32
    %dma_wait3A_160 = tpu.memref_slice %arg4[%add3A_138, %dma_wait3A_159] : memref<819200x16xf32, #tpu.memory_space<hbm>> -> memref<2560x16xf32, #tpu.memory_space<hbm>>
    tpu.wait_dma2 semaphore(%arg12 : memref<!tpu.dma_semaphore, #tpu.memory_space<semaphore_mem>>) src(%arg8 : memref<2560x16xf32, #tpu.memory_space<vmem>>) dst(%dma_wait3A_160 : memref<2560x16xf32, #tpu.memory_space<hbm>>)
    return
  }
}

module attributes {stable_mosaic.version = 14 : i64} {
  func.func @body(%arg0: i32, %arg1: memref<800x128xf32, #tpu.memory_space<vmem>>, %arg2: memref<128x400xf32, #tpu.memory_space<vmem>>, %arg3: memref<400xf32, #tpu.memory_space<vmem>>, %arg4: memref<400x24xf32, #tpu.memory_space<vmem>>, %arg5: memref<24xf32, #tpu.memory_space<vmem>>, %arg6: memref<24x24xf32, #tpu.memory_space<vmem>>, %arg7: memref<32x200x3xf32, #tpu.memory_space<vmem>>) attributes {dimension_semantics = [#tpu.dimension_semantics<arbitrary>], iteration_bounds = array<i64: 128>, scalar_prefetch = 0 : i64, scratch_operands = 0 : i64, tpu.core_type = #tpu.core_type<tc>, window_params = [{transform_indices = @transform_0, window_bounds = array<i64: 800, 128>}, {pipeline_mode = #tpu.pipeline_mode<synchronous>, transform_indices = @transform_1, window_bounds = array<i64: 128, 400>}, {pipeline_mode = #tpu.pipeline_mode<synchronous>, transform_indices = @transform_2, window_bounds = array<i64: 400>}, {pipeline_mode = #tpu.pipeline_mode<synchronous>, transform_indices = @transform_3, window_bounds = array<i64: 400, 24>}, {pipeline_mode = #tpu.pipeline_mode<synchronous>, transform_indices = @transform_4, window_bounds = array<i64: 24>}, {pipeline_mode = #tpu.pipeline_mode<synchronous>, transform_indices = @transform_5, window_bounds = array<i64: 24, 24>}, {transform_indices = @transform_6, window_bounds = array<i64: 32, 200, 3>}]} {
    %get3A = arith.constant 0 : index
    %get3A_0 = arith.constant 0 : index
    %get3A_1 = vector.load %arg1[%get3A, %get3A_0] : memref<800x128xf32, #tpu.memory_space<vmem>>, vector<800x128xf32>
    %get3A_2 = arith.constant 0 : index
    %get3A_3 = arith.constant 0 : index
    %get3A_4 = vector.load %arg2[%get3A_2, %get3A_3] : memref<128x400xf32, #tpu.memory_space<vmem>>, vector<128x400xf32>
    %dot_general3A = arith.constant dense<0.000000e+00> : vector<800x400xf32>
    %dot_general3A_5 = tpu.matmul %get3A_1, %get3A_4, %dot_general3A {dimension_numbers = #tpu.dot_dimension_numbers<[1], [0], [0], [1], [0, 0, 1, 1], [], []>, transpose_lhs_hint = false} : vector<800x128xf32>, vector<128x400xf32>, vector<800x400xf32> -> vector<800x400xf32>
    %get3A_6 = arith.constant 0 : index
    %get3A_7 = vector.load %arg3[%get3A_6] : memref<400xf32, #tpu.memory_space<vmem>>, vector<400xf32>
    %broadcast_in_dim3A = vector.shape_cast %get3A_7 : vector<400xf32> to vector<1x400xf32>
    %add3A = vector.broadcast %broadcast_in_dim3A : vector<1x400xf32> to vector<800x400xf32>
    %add3A_8 = arith.addf %dot_general3A_5, %add3A : vector<800x400xf32>
    %max3A = arith.constant 0.000000e+00 : f32
    %max3A_9 = vector.broadcast %max3A : f32 to vector<800x400xf32>
    %max3A_10 = arith.maximumf %add3A_8, %max3A_9 : vector<800x400xf32>
    %get3A_11 = arith.constant 0 : index
    %get3A_12 = arith.constant 0 : index
    %get3A_13 = vector.load %arg4[%get3A_11, %get3A_12] : memref<400x24xf32, #tpu.memory_space<vmem>>, vector<400x24xf32>
    %dot_general3A_14 = arith.constant dense<0.000000e+00> : vector<800x24xf32>
    %dot_general3A_15 = tpu.matmul %max3A_10, %get3A_13, %dot_general3A_14 {dimension_numbers = #tpu.dot_dimension_numbers<[1], [0], [0], [1], [0, 0, 1, 1], [], []>, transpose_lhs_hint = false} : vector<800x400xf32>, vector<400x24xf32>, vector<800x24xf32> -> vector<800x24xf32>
    %get3A_16 = arith.constant 0 : index
    %get3A_17 = vector.load %arg5[%get3A_16] : memref<24xf32, #tpu.memory_space<vmem>>, vector<24xf32>
    %broadcast_in_dim3A_18 = vector.shape_cast %get3A_17 : vector<24xf32> to vector<1x24xf32>
    %add3A_19 = vector.broadcast %broadcast_in_dim3A_18 : vector<1x24xf32> to vector<800x24xf32>
    %add3A_20 = arith.addf %dot_general3A_15, %add3A_19 : vector<800x24xf32>
    %reduce_max3A = arith.constant dense<0xFF800000> : vector<800xf32>
    %reduce_max3A_21 = vector.multi_reduction <maximumf>, %add3A_20, %reduce_max3A [1] : vector<800x24xf32> to vector<800xf32>
    %broadcast_in_dim3A_22 = vector.shape_cast %reduce_max3A_21 : vector<800xf32> to vector<800x1xf32>
    %sub3A = vector.broadcast %broadcast_in_dim3A_22 : vector<800x1xf32> to vector<800x24xf32>
    %sub3A_23 = arith.subf %add3A_20, %sub3A : vector<800x24xf32>
    %exp3A = math.exp %sub3A_23 : vector<800x24xf32>
    %get3A_24 = arith.constant 0 : index
    %get3A_25 = arith.constant 0 : index
    %get3A_26 = vector.load %arg6[%get3A_24, %get3A_25] : memref<24x24xf32, #tpu.memory_space<vmem>>, vector<24x24xf32>
    %dot_general3A_27 = arith.constant dense<0.000000e+00> : vector<800x24xf32>
    %dot_general3A_28 = tpu.matmul %exp3A, %get3A_26, %dot_general3A_27 {dimension_numbers = #tpu.dot_dimension_numbers<[1], [0], [0], [1], [0, 0, 1, 1], [], []>, transpose_lhs_hint = false} : vector<800x24xf32>, vector<24x24xf32>, vector<800x24xf32> -> vector<800x24xf32>
    %sub3A_29 = vector.broadcast %broadcast_in_dim3A_22 : vector<800x1xf32> to vector<800x24xf32>
    %sub3A_30 = arith.subf %add3A_20, %sub3A_29 : vector<800x24xf32>
    %log3A = math.log %dot_general3A_28 : vector<800x24xf32>
    %sub3A_31 = arith.subf %sub3A_30, %log3A : vector<800x24xf32>
    %jit3A = arith.constant 0 : i32
    %convert_element_type3A = arith.sitofp %jit3A : i32 to f32
    %pad3A = vector.broadcast %convert_element_type3A : f32 to vector<800x104xf32>
    %pad3A_32 = tpu.concatenate %sub3A_31, %pad3A in 1 : vector<800x24xf32>, vector<800x104xf32> -> vector<800x128xf32>
    %broadcast_in_dim3A_33 = vector.shape_cast %pad3A_32 : vector<800x128xf32> to vector<800x1x128xf32>
    %broadcast_in_dim3A_34 = vector.broadcast %broadcast_in_dim3A_33 : vector<800x1x128xf32> to vector<800x8x128xf32>
    %roll3A = arith.constant 107 : i32
    %roll3A_35 = tpu.dynamic_rotate %broadcast_in_dim3A_34 by %roll3A dim 2 {stride = 3 : si32, stride_dimension = 1 : si32} : vector<800x8x128xf32>, i32 -> vector<800x8x128xf32>
    %reshape3A = vector.shape_cast %roll3A_35 : vector<800x8x128xf32> to vector<6400x128xf32>
    %slice3A = vector.extract_strided_slice %reshape3A {offsets = [0, 0], sizes = [6400, 3], strides = [1, 1]} : vector<6400x128xf32> to vector<6400x3xf32>
    %reshape3A_36 = vector.shape_cast %slice3A : vector<6400x3xf32> to vector<32x200x3xf32>
    %swap3A = arith.constant 0 : index
    %swap3A_37 = arith.constant 0 : index
    %swap3A_38 = arith.constant 0 : index
    %swap3A_39 = vector.load %arg7[%swap3A, %swap3A_37, %swap3A_38] : memref<32x200x3xf32, #tpu.memory_space<vmem>>, vector<32x200x3xf32>
    tpu.vector_store %arg7[%swap3A, %swap3A_37, %swap3A_38], %reshape3A_36 {strides = array<i32>} : memref<32x200x3xf32, #tpu.memory_space<vmem>>, vector<32x200x3xf32>,
    return
  }
  func.func @transform_0(%arg0: i32) -> (i32, i32) {
    %c0_i32 = arith.constant 0 : i32
    %c0_i32_0 = arith.constant 0 : i32
    return %arg0, %c0_i32 : i32, i32
  }
  func.func @transform_1(%arg0: i32) -> (i32, i32) {
    %c0_i32 = arith.constant 0 : i32
    %c0_i32_0 = arith.constant 0 : i32
    %c0_i32_1 = arith.constant 0 : i32
    return %c0_i32, %c0_i32_0 : i32, i32
  }
  func.func @transform_2(%arg0: i32) -> i32 {
    %c0_i32 = arith.constant 0 : i32
    %c0_i32_0 = arith.constant 0 : i32
    return %c0_i32 : i32
  }
  func.func @transform_3(%arg0: i32) -> (i32, i32) {
    %c0_i32 = arith.constant 0 : i32
    %c0_i32_0 = arith.constant 0 : i32
    %c0_i32_1 = arith.constant 0 : i32
    return %c0_i32, %c0_i32_0 : i32, i32
  }
  func.func @transform_4(%arg0: i32) -> i32 {
    %c0_i32 = arith.constant 0 : i32
    %c0_i32_0 = arith.constant 0 : i32
    return %c0_i32 : i32
  }
  func.func @transform_5(%arg0: i32) -> (i32, i32) {
    %c0_i32 = arith.constant 0 : i32
    %c0_i32_0 = arith.constant 0 : i32
    %c0_i32_1 = arith.constant 0 : i32
    return %c0_i32, %c0_i32_0 : i32, i32
  }
  func.func @transform_6(%arg0: i32) -> (i32, i32, i32) {
    %c0_i32 = arith.constant 0 : i32
    %c0_i32_0 = arith.constant 0 : i32
    %c0_i32_1 = arith.constant 0 : i32
    return %arg0, %c0_i32, %c0_i32_0 : i32, i32, i32
  }
}

</mosaic_0001>

<sc_bundles>
// kernel: kernel.4.cloned.1.call-start
scs
__scs_entry_jumppad:
0x0: {  	(pc) =	sbr.rel $0x88, $3  }
0x1: {  	(tag) =	ssettag $0x0;
	lr =	simm.s32 $0x1  }
0x2: {  	[smem:$0x3F9B] =	sst lr;
	_ =	strace $0xD0000000  }
0x3: {  	_ = 	snop  }
0x4: {  	_ = 	snop  }
0x5: {  	_ = 	snop  }
0x6: {  	_ = 	snop  }
0x7: {  	_ = 	snop  }
__scs_overlays_trampoline_lowered:
0x8: {  	[smem:$0x3FAA] =	sst s0  }
0x9: {  	[smem:$0x3FAB] =	sst s1  }
0xa: {  	[smem:$0x3FAC] =	sst s2  }
0xb: {  	[smem:$0x3FAD] =	sst s3  }
0xc: {  	[smem:$0x3FAE] =	sst s4  }
0xd: {  	[smem:$0x3FAF] =	sst s5  }
0xe: {  	[smem:$0x3FB0] =	sst s6  }
0xf: {  	[smem:$0x3FB1] =	sst s7  }
0x10: {  	[smem:$0x3FB2] =	sst s8  }
0x11: {  	[smem:$0x3FB3] =	sst s9;
	s0 =	simm.s32 @!p0 $0x0  }
0x12: {  	s1 =	sld [smem:$0x3F99];
	s0 =	simm.s32 @p0 $0x1  }
0x13: {  	[smem:$0x3FB4] =	sst s0;
	s0 =	simm.s32 @!p1 $0x0  }
0x14: {  	s2 =	sld [smem:$0x3F98];
	s0 =	simm.s32 @p1 $0x1  }
0x15: {  	[smem:$0x3FB5] =	sst s0;
	s0 =	simm.s32 @!p2 $0x0  }
0x16: {  	s3 =	sld [smem:$0x3FDB];
	s0 =	simm.s32 @p2 $0x1  }
0x17: {  	s4 =	simm.s32 $0x1BF5;
	[smem:$0x3FB7] =	sst s0  }
0x18: {  	s0 =	sld [smem:$0x3F9A];
	_ =	swait.ge [sflag:s4], $0x0  }
0x19: {  	s7 =	sld [smem:$0x3F9B]  }
0x1a: {  	s8 =	sadd.s32 $0xFFFFE003, lr  }
0x1b: {  	s9 =	sadd.s32 $0xFFFFFEF7, lr;
	s5 =	simm.s32 $0xFFFFFFFF;
	p2 =	slt.u32 s8, $0xFFFFF086  }
0x1c: {  	p1 =	slt.u32 s9, $0xF7A;
	s5 =	simm.s32 @!p2 $0x0  }
0x1d: {  	s5 =	simm.s32 @p1 $0x1;
	p0 =	seq.s32 s7, s2  }
0x1e: {  	s7 =	smul.u32 @!p0 $0xF7A, s2;
	p2 =	seq.s32 @!p0 s5, $0x0  }
0x1f: {  	s9 =	smul.u32 $0xF7A, s1;
	s8 =	simm.s32 @!p0 $0x1BF5;
	p2 =	por !p2, p0  }
0x20: {  	[sflag:s8] =	ssyncset.s32 @!p0 $0xFFFFF086;
	s6 =	sadd.s32 @!p0 s3, s7;
	s7 =	simm.s32 @!p0 $0x108  }
0x21: {  	s3 =	sadd.s32 s3, s9;
	s6 =	sadd.s32 @!p0 $0x88, s6;
	s7 =	simm.s32 @p2 $0x1082  }
0x22: {  	[simem:s7], [sflag:s8] =	dma.local @!p0 [hbm:s6], $0xF7A  }
0x23: {  	s9 =	sor.u32 $0xD0000000, s2;
	s6 =	simm.s32 $0x108;
	_ =	swait.ge @!p0 [sflag:s8], $0x0  }
0x24: {  	s3 =	sadd.s32 $0x88, s3;
	s6 =	simm.s32 @!p1 $0x1082;
	[sflag:s4] =	ssyncset.s32 $0xFFFFF086  }
0x25: {  	[simem:s6], [sflag:s4] =	dma.local [hbm:s3], $0xF7A  }
0x26: {  	[smem:$0x3F9B] =	sst s1;
	(tag) =	ssettag s2;
	_ =	strace s9  }
0x27: {  	s1 =	sld [smem:$0x3FAB]  }
0x28: {  	s2 =	sld [smem:$0x3FAC]  }
0x29: {  	s4 =	sld [smem:$0x3FAE]  }
0x2a: {  	p0 =	seq.s32 s5, $0x0;
	s5 =	sld [smem:$0x3FAF]  }
0x2b: {  	s6 =	sld [smem:$0x3FB0]  }
0x2c: {  	s7 =	sld [smem:$0x3FB1]  }
0x2d: {  	s3 =	simm.s32 $0x108;
	s8 =	sld [smem:$0x3FB2]  }
0x2e: {  	s3 =	simm.s32 @!p0 $0x1082;
	s9 =	sld [smem:$0x3FB3]  }
0x2f: {  	lr =	sadd.s32 s0, s3;
	s0 =	sld [smem:$0x3FAA]  }
0x30: {  	s3 =	sld [smem:$0x3FAD]  }
0x31: {  	[smem:$0x3FB6] =	sst s10  }
0x32: {  	s10 =	sld [smem:$0x3FB4];
	_ =	sdelay $0x3  }
0x33: {  	p0 =	seq.s32 s10, $0x1;
	s10 =	sld [smem:$0x3FB6];
	_ =	sdelay $0x3  }
0x34: {  	[smem:$0x3FB6] =	sst s10  }
0x35: {  	s10 =	sld [smem:$0x3FB5];
	_ =	sdelay $0x3  }
0x36: {  	p1 =	seq.s32 s10, $0x1;
	s10 =	sld [smem:$0x3FB6];
	_ =	sdelay $0x3  }
0x37: {  	[smem:$0x3FB6] =	sst s10  }
0x38: {  	s10 =	sld [smem:$0x3FB7]  }
0x39: {  	_ = 	snop;
	(pc) =	sbr.ind lr, $3  }
0x3a: {  	_ = 	snop  }
0x3b: {  	_ = 	snop  }
0x3c: {  	p2 =	seq.s32 s10, $0x1;
	s10 =	sld [smem:$0x3FB6]  }
0x3d: {  	_ =	shalt  }
0x3e: {  	_ =	shalt  }
0x3f: {  	_ =	shalt  }
0x40: {  	_ =	shalt  }
0x41: {  	_ =	shalt  }
0x42: {  	_ =	shalt  }
0x43: {  	_ =	shalt  }
0x44: {  	_ =	shalt  }
0x45: {  	_ =	shalt  }
0x46: {  	_ =	shalt  }
0x47: {  	_ =	shalt  }
0x48: {  	_ =	shalt  }
0x49: {  	_ =	shalt  }
0x4a: {  	_ =	shalt  }
0x4b: {  	_ =	shalt  }
0x4c: {  	_ =	shalt  }
0x4d: {  	_ =	shalt  }
0x4e: {  	_ =	shalt  }
0x4f: {  	_ =	shalt  }
0x50: {  	_ =	shalt  }
0x51: {  	_ =	shalt  }
0x52: {  	_ =	shalt  }
0x53: {  	_ =	shalt  }
0x54: {  	_ =	shalt  }
0x55: {  	_ =	shalt  }
0x56: {  	_ =	shalt  }
0x57: {  	_ =	shalt  }
0x58: {  	_ =	shalt  }
0x59: {  	_ =	shalt  }
0x5a: {  	_ =	shalt  }
0x5b: {  	_ =	shalt  }
0x5c: {  	_ =	shalt  }
0x5d: {  	_ =	shalt  }
0x5e: {  	_ =	shalt  }
0x5f: {  	_ =	shalt  }
0x60: {  	_ =	shalt  }
0x61: {  	_ =	shalt  }
0x62: {  	_ =	shalt  }
0x63: {  	_ =	shalt  }
0x64: {  	_ =	shalt  }
0x65: {  	_ =	shalt  }
0x66: {  	_ =	shalt  }
0x67: {  	_ =	shalt  }
0x68: {  	_ =	shalt  }
0x69: {  	_ =	shalt  }
0x6a: {  	_ =	shalt  }
0x6b: {  	_ =	shalt  }
0x6c: {  	_ =	shalt  }
0x6d: {  	_ =	shalt  }
0x6e: {  	_ =	shalt  }
0x6f: {  	_ =	shalt  }
0x70: {  	_ =	shalt  }
0x71: {  	_ =	shalt  }
0x72: {  	_ =	shalt  }
0x73: {  	_ =	shalt  }
0x74: {  	_ =	shalt  }
0x75: {  	_ =	shalt  }
0x76: {  	_ =	shalt  }
0x77: {  	_ =	shalt  }
0x78: {  	_ =	shalt  }
0x79: {  	_ =	shalt  }
0x7a: {  	_ =	shalt  }
0x7b: {  	_ =	shalt  }
0x7c: {  	_ =	shalt  }
0x7d: {  	_ =	shalt  }
0x7e: {  	_ =	shalt  }
0x7f: {  	_ =	shalt  }
0x80: {  	_ =	shalt  }
0x81: {  	_ =	shalt  }
0x82: {  	_ =	shalt  }
0x83: {  	_ =	shalt  }
0x84: {  	_ =	shalt  }
0x85: {  	_ =	shalt  }
0x86: {  	_ =	shalt  }
0x87: {  	_ =	shalt  }
.Lfunc_end0:
.L_simem_size_0:
called_computation_lowered:
.L_overlay_start_0:
0x88: {  	s2 =	sld [smem:$0x3FD9]  }
0x89: {  	s3 =	sld [smem:$0x3FFE];
	_ =	sdelay $0x1  }
0x8a: {  	s1 =	srdreg.scid  }
0x8b: {  	s0 =	sand.u32 $0x1, s1  }
0x8c: {  	s17 =	sshll.u32 s0, $0xA;
	s2 =	sadd.s32 s3, s2  }
0x8d: {  	s2 =	sadd.s32 s2, s17  }
0x8e: {  	[smem:$0x3FC2] =	sst s2  }
0x8f: {  	_ = 	snop  }
0x90: {  	s2 =	sld [smem:$0x3FD0];
	(tm) =	ssettm $0x1  }
0x91: {  	s18 =	sld [smem:$0x3FFB];
	_ =	sdelay $0x3  }
0x92: {  	_ =	strace s18  }
0x93: {  	s3 =	sld [smem:$0x3FFC];
	_ =	sdelay $0x3  }
0x94: {  	_ =	strace s3  }
0x95: {  	s3 =	sld [smem:$0x3FFD];
	_ =	sdelay $0x3  }
0x96: {  	_ =	strace s3  }
0x97: {  	_ =	strace $0x8FFFFFFF  }
0x98: {  	s19 =	sld [smem:$0x3FDB];
	_ =	sdelay $0x1  }
0x99: {  	s4 =	simm.s32 $_scs_section_size  }
0x9a: {  	s5 =	simm.s32 $_size__tile_overlayer_lowered;
	s6 =	simm.s32 $_tile_overlayer_lowered  }
0x9b: {  	s22 =	simm.s32 $0x1BFF;
	s21 =	sshll.u32 s6, $0x1;
	s3 =	sadd.s32 s4, s19  }
0x9c: {  	s7 =	simm.s32 $0x0;
	s20 =	sshll.u32 s5, $0x1;
	s5 =	sadd.s32 s21, s3  }
0x9d: {  	[timem:s7], [sflag:s22] =	dma.local [hbm:s5], s20  }
0x9e: {  	_ =	swait.ge [sflag:s22], s20  }
0x9f: {  	s4 =	ssub.s32 $0x0, s20;
	[sflag:s22] =	ssyncset.done $0x0  }
0xa0: {  	[sflag:s22] =	ssyncadd.s32 s4;
	_ =	sdelay $0x1  }
0xa1: {  	s23 =	simm.s32 $0x1B8B  }
0xa2: {  	_ =	swait.ge [sflag:s23], $0x1  }
0xa3: {  	[sflag:s23] =	ssyncset.done $0x0  }
0xa4: {  	s25 =	simm.s32 $0x1B8E;
	s24 =	sld [smem:$0x3FFE];
	[sflag:s23] =	ssyncadd.s32 $0xFFFFFFFF  }
0xa5: {  	s26 =	simm.s32 $execute0_lowered;
	[smem:$0x3FD2] =	sst s25  }
0xa6: {  	s5 =	sshll.u32 s26, $0x1;
	_ =	strace $0x80000046;
	[dreg:$0x1] =	wrdreg $0xFFFFFFFF  }
0xa7: {  	s28 =	simm.s32 $_size_execute0_lowered;
	s3 =	sadd.s32 s3, s5;
	[dreg:$0x0] =	wrdreg $0x0  }
0xa8: {  	s5 =	sshll.u32 s28, $0x1;
	[dreg:$0x2] =	wrdreg s3  }
0xa9: {  	[dreg:$0x3] =	wrdreg s5  }
0xaa: {  	[dreg:$0x4] =	wrdreg $0xC0  }
0xab: {  	_ =	task [dreg:s7], $0x5FFFF  }
0xac: {  	[dreg:$0x1] =	wrdreg $0xFFFFFFFF  }
0xad: {  	[dreg:$0x0] =	wrdreg $0x60  }
0xae: {  	[dreg:$0x2] =	wrdreg s24  }
0xaf: {  	[dreg:$0x3] =	wrdreg s2  }
0xb0: {  	[dreg:$0x4] =	wrdreg $0x9  }
0xb1: {  	_ =	task.clear_ibuf [dreg:s7], $0x5FFFF;
	_ =	strace $0x90000046  }
0xb2: {  	s29 =	simm.s32 $0x9;
	_ =	strace $0x80000048  }
0xb3: {  	_ =	swait.ge [sflag:s29], $0x1  }
0xb4: {  	[sflag:s29] =	ssyncadd.s32 $0xFFFFFFFF  }
0xb5: {  	_ =	strace $0x90000048  }
0xb6: {  	_ =	sfence  }
0xb7: {  	s30 =	sld [smem:$0x0];
	_ =	sdelay $0x2  }
0xb8: {  	s31 =	sshll.u32 s1, $0xD;
	s1 =	sshrl.u32 s1, $0x2  }
0xb9: {  	s3 =	sand.u32 $0x4000, s31;
	s1 =	sadd.s32 s1, s30  }
0xba: {  	s0 =	sor.u32 s3, s0;
	s1 =	sshll.u32 s1, $0x11  }
0xbb: {  	s0 =	sor.u32 s1, s0  }
0xbc: {  	s0 =	sadd.s32 $0x8F2B, s0  }
0xbd: {  	[sflag:s0] =	ssyncadd.remote.s32 $0x1  }
0xbe: {  	_ =	sfence.sel $0xFFFF  }
0xbf: {  	[dreg:$0x0] =	wrdreg $0xFFFFFFFF;
	(pc) =	sbr.abs _section_cstart, $3  }
0xc0: {  	[dreg:$0x1] =	wrdreg $0xFFFFFFFF  }
0xc1: {  	_ =	task.clear_ibuf [dreg:s7], $0x2FFFF;
	_ =	strace $0x9FFFFFFF  }
0xc2: {  	(tm) =	ssettm $0x7FFFFFFF  }
0xc3: {  	_ =	shalt  }
tec
execute0_lowered:
.L_overlay_start_1:
0x0: {  	(tag) =	ssettag $0x1  }
0x1: {  	s0 =	srdreg.scid;
	s1 =	stileid.u32  }
0x2: {  	s2 =	sand.u32 $0x1, s0;
	s25 =	sshll.u32 s1, $0x1  }
0x3: {  	s0 =	sor.u32 s2, s25  }
0x4: {  	s8 =	rddreg [dreg:$0x0];
	s31 =	smul.u32 $0x6400, s0  }
0x5: {  	s30 =	rddreg [dreg:$0x1]  }
0x6: {  	[dreg:$0x4] =	wrdreg s2;
	s2 =	simm.s32 $0x0;
	s3 =	sshrl.u32 s31, $0x3  }
0x7: {  	[smem:$0x7FF] =	sst s2;
	s3 =	sadd.s32 s30, s3  }
0x8: {  	_ =	strace $0x80000047;
	[dreg:$0x3] =	wrdreg s3  }
0x9: {  	s3 =	simm.s32 $0x5;
	s4 =	rddreg [dreg:$0x3]  }
0xa: {  	[tilespmem:s2], [sflag:$0x5] =	stream.linear.gather [hbm4b:s4+s2], $0xA00, $0x38;
	[tilespmem:$0x15400] =	vst v63  }
0xb: {  	_ =	swait.ge [sflag:s3], $0xA00  }
0xc: {  	s5 =	simm.s32 $0xA00;
	s6 =	simm.s32 $0x1400;
	[sflag:s3] =	ssyncset.done $0x0  }
0xd: {  	s7 =	simm.s32 $0x1;
	s4 =	sadd.s32 $0xF43200, s8;
	[sflag:s3] =	ssyncadd.s32 $0xFFFFF600  }
0xe: {  	[tilespmem:s6], [sflag:$0x1] =	stream.indirect.gather [hbm4b:s4+s5], $0x10, s2, s5, $0xb8;
	[tilespmem:$0x15400] =	vst v63  }
0xf: {  	s9 =	smul.u32 $0xC800, s0;
	_ =	swait.ge [sflag:s7], $0xA000  }
0x10: {  	s0 =	sadd.s32 $0xE00, s8;
	s12 =	sadd.s32 $0xA00, s31;
	[sflag:s7] =	ssyncset.done $0x0  }
0x11: {  	s26 =	sshrl.u32 s12, $0x3;
	s8 =	sadd.s32 s0, s9;
	[sflag:s7] =	ssyncadd.s32 $0xFFFF6000  }
0x12: {  	[hbm4b:s8+s2] =	stream.linear.scatter [tilespmem:s6], [sflag:$0x3], $0xA000, $0x38;
	[tilespmem:$0x15400] =	vst v63  }
0x13: {  	s9 =	sadd.s32 s30, s26  }
0x14: {  	[tilespmem:s5], [sflag:$0x5] =	stream.linear.gather [hbm4b:s9+s2], $0xA00, $0x38;
	[tilespmem:$0x15400] =	vst v63  }
0x15: {  	_ =	swait.ge [sflag:s3], $0xA00  }
0x16: {  	[sflag:s3] =	ssyncset.done $0x0  }
0x17: {  	s10 =	simm.s32 $0xB400;
	s11 =	simm.s32 $0x2;
	[sflag:s3] =	ssyncadd.s32 $0xFFFFF600  }
0x18: {  	[tilespmem:s10], [sflag:$0x2] =	stream.indirect.gather [hbm4b:s4+s5], $0x10, s5, s5, $0xb8;
	[tilespmem:$0x15400] =	vst v63  }
0x19: {  	_ =	swait.ge [sflag:s11], $0xA000  }
0x1a: {  	s12 =	sshll.u32 s12, $0x1;
	[sflag:s11] =	ssyncset.done $0x0  }
0x1b: {  	s13 =	simm.s32 $0x3;
	s12 =	sadd.s32 s0, s12;
	[sflag:s11] =	ssyncadd.s32 $0xFFFF6000  }
0x1c: {  	[hbm4b:s12+s2] =	stream.linear.scatter [tilespmem:s10], [sflag:$0x4], $0xA000, $0x38;
	[tilespmem:$0x15400] =	vst v63  }
0x1d: {  	s15 =	sadd.s32 $0x1400, s31;
	_ =	swait.ge [sflag:s13], $0xA000  }
0x1e: {  	s14 =	sshrl.u32 s15, $0x3;
	[sflag:s13] =	ssyncset.done $0x0  }
0x1f: {  	s14 =	sadd.s32 s30, s14;
	[sflag:s13] =	ssyncadd.s32 $0xFFFF6000  }
0x20: {  	[tilespmem:s2], [sflag:$0x5] =	stream.linear.gather [hbm4b:s14+s2], $0xA00, $0x38;
	[tilespmem:$0x15400] =	vst v63  }
0x21: {  	_ =	swait.ge [sflag:s3], $0xA00  }
0x22: {  	[sflag:s3] =	ssyncset.done $0x0  }
0x23: {  	[sflag:s3] =	ssyncadd.s32 $0xFFFFF600  }
0x24: {  	[tilespmem:s6], [sflag:$0x1] =	stream.indirect.gather [hbm4b:s4+s5], $0x10, s2, s5, $0xb8;
	[tilespmem:$0x15400] =	vst v63  }
0x25: {  	_ =	swait.ge [sflag:s7], $0xA000  }
0x26: {  	s15 =	sshll.u32 s15, $0x1;
	[sflag:s7] =	ssyncset.done $0x0  }
0x27: {  	s16 =	sadd.s32 s0, s15;
	s15 =	simm.s32 $0x4;
	[sflag:s7] =	ssyncadd.s32 $0xFFFF6000  }
0x28: {  	[hbm4b:s16+s2] =	stream.linear.scatter [tilespmem:s6], [sflag:$0x3], $0xA000, $0x38;
	[tilespmem:$0x15400] =	vst v63  }
0x29: {  	s18 =	sadd.s32 $0x1E00, s31;
	_ =	swait.ge [sflag:s15], $0xA000  }
0x2a: {  	s17 =	sshrl.u32 s18, $0x3;
	[sflag:s15] =	ssyncset.done $0x0  }
0x2b: {  	s17 =	sadd.s32 s30, s17;
	[sflag:s15] =	ssyncadd.s32 $0xFFFF6000  }
0x2c: {  	[tilespmem:s5], [sflag:$0x5] =	stream.linear.gather [hbm4b:s17+s2], $0xA00, $0x38;
	[tilespmem:$0x15400] =	vst v63  }
0x2d: {  	_ =	swait.ge [sflag:s3], $0xA00  }
0x2e: {  	[sflag:s3] =	ssyncset.done $0x0  }
0x2f: {  	[sflag:s3] =	ssyncadd.s32 $0xFFFFF600  }
0x30: {  	[tilespmem:s10], [sflag:$0x2] =	stream.indirect.gather [hbm4b:s4+s5], $0x10, s5, s5, $0xb8;
	[tilespmem:$0x15400] =	vst v63  }
0x31: {  	_ =	swait.ge [sflag:s11], $0xA000  }
0x32: {  	s18 =	sshll.u32 s18, $0x1;
	[sflag:s11] =	ssyncset.done $0x0  }
0x33: {  	s18 =	sadd.s32 s0, s18;
	[sflag:s11] =	ssyncadd.s32 $0xFFFF6000  }
0x34: {  	[hbm4b:s18+s2] =	stream.linear.scatter [tilespmem:s10], [sflag:$0x4], $0xA000, $0x38;
	[tilespmem:$0x15400] =	vst v63  }
0x35: {  	s20 =	sadd.s32 $0x2800, s31;
	_ =	swait.ge [sflag:s13], $0xA000  }
0x36: {  	s19 =	sshrl.u32 s20, $0x3;
	[sflag:s13] =	ssyncset.done $0x0  }
0x37: {  	s19 =	sadd.s32 s30, s19;
	[sflag:s13] =	ssyncadd.s32 $0xFFFF6000  }
0x38: {  	[tilespmem:s2], [sflag:$0x5] =	stream.linear.gather [hbm4b:s19+s2], $0xA00, $0x38;
	[tilespmem:$0x15400] =	vst v63  }
0x39: {  	_ =	swait.ge [sflag:s3], $0xA00  }
0x3a: {  	[sflag:s3] =	ssyncset.done $0x0  }
0x3b: {  	[sflag:s3] =	ssyncadd.s32 $0xFFFFF600  }
0x3c: {  	[tilespmem:s6], [sflag:$0x1] =	stream.indirect.gather [hbm4b:s4+s5], $0x10, s2, s5, $0xb8;
	[tilespmem:$0x15400] =	vst v63  }
0x3d: {  	_ =	swait.ge [sflag:s7], $0xA000  }
0x3e: {  	s20 =	sshll.u32 s20, $0x1;
	[sflag:s7] =	ssyncset.done $0x0  }
0x3f: {  	s20 =	sadd.s32 s0, s20;
	[sflag:s7] =	ssyncadd.s32 $0xFFFF6000  }
0x40: {  	[hbm4b:s20+s2] =	stream.linear.scatter [tilespmem:s6], [sflag:$0x3], $0xA000, $0x38;
	[tilespmem:$0x15400] =	vst v63  }
0x41: {  	s22 =	sadd.s32 $0x3200, s31;
	_ =	swait.ge [sflag:s15], $0xA000  }
0x42: {  	s21 =	sshrl.u32 s22, $0x3;
	[sflag:s15] =	ssyncset.done $0x0  }
0x43: {  	s21 =	sadd.s32 s30, s21;
	[sflag:s15] =	ssyncadd.s32 $0xFFFF6000  }
0x44: {  	[tilespmem:s5], [sflag:$0x5] =	stream.linear.gather [hbm4b:s21+s2], $0xA00, $0x38;
	[tilespmem:$0x15400] =	vst v63  }
0x45: {  	_ =	swait.ge [sflag:s3], $0xA00  }
0x46: {  	[sflag:s3] =	ssyncset.done $0x0  }
0x47: {  	[sflag:s3] =	ssyncadd.s32 $0xFFFFF600  }
0x48: {  	[tilespmem:s10], [sflag:$0x2] =	stream.indirect.gather [hbm4b:s4+s5], $0x10, s5, s5, $0xb8;
	[tilespmem:$0x15400] =	vst v63  }
0x49: {  	_ =	swait.ge [sflag:s11], $0xA000  }
0x4a: {  	s22 =	sshll.u32 s22, $0x1;
	[sflag:s11] =	ssyncset.done $0x0  }
0x4b: {  	s22 =	sadd.s32 s0, s22;
	[sflag:s11] =	ssyncadd.s32 $0xFFFF6000  }
0x4c: {  	[hbm4b:s22+s2] =	stream.linear.scatter [tilespmem:s10], [sflag:$0x4], $0xA000, $0x38;
	[tilespmem:$0x15400] =	vst v63  }
0x4d: {  	s24 =	sadd.s32 $0x3C00, s31;
	_ =	swait.ge [sflag:s13], $0xA000  }
0x4e: {  	s23 =	sshrl.u32 s24, $0x3;
	[sflag:s13] =	ssyncset.done $0x0  }
0x4f: {  	s23 =	sadd.s32 s30, s23;
	[sflag:s13] =	ssyncadd.s32 $0xFFFF6000  }
0x50: {  	[tilespmem:s2], [sflag:$0x5] =	stream.linear.gather [hbm4b:s23+s2], $0xA00, $0x38;
	[tilespmem:$0x15400] =	vst v63  }
0x51: {  	_ =	swait.ge [sflag:s3], $0xA00  }
0x52: {  	[sflag:s3] =	ssyncset.done $0x0  }
0x53: {  	[sflag:s3] =	ssyncadd.s32 $0xFFFFF600  }
0x54: {  	[tilespmem:s6], [sflag:$0x1] =	stream.indirect.gather [hbm4b:s4+s5], $0x10, s2, s5, $0xb8;
	[tilespmem:$0x15400] =	vst v63  }
0x55: {  	_ =	swait.ge [sflag:s7], $0xA000  }
0x56: {  	s24 =	sshll.u32 s24, $0x1;
	[sflag:s7] =	ssyncset.done $0x0  }
0x57: {  	s24 =	sadd.s32 s0, s24;
	[sflag:s7] =	ssyncadd.s32 $0xFFFF6000  }
0x58: {  	[hbm4b:s24+s2] =	stream.linear.scatter [tilespmem:s6], [sflag:$0x3], $0xA000, $0x38;
	[tilespmem:$0x15400] =	vst v63  }
0x59: {  	s26 =	sadd.s32 $0x4600, s31;
	_ =	swait.ge [sflag:s15], $0xA000  }
0x5a: {  	s25 =	sshrl.u32 s26, $0x3;
	[sflag:s15] =	ssyncset.done $0x0  }
0x5b: {  	s25 =	sadd.s32 s30, s25;
	[sflag:s15] =	ssyncadd.s32 $0xFFFF6000  }
0x5c: {  	[tilespmem:s5], [sflag:$0x5] =	stream.linear.gather [hbm4b:s25+s2], $0xA00, $0x38;
	[tilespmem:$0x15400] =	vst v63  }
0x5d: {  	_ =	swait.ge [sflag:s3], $0xA00  }
0x5e: {  	[sflag:s3] =	ssyncset.done $0x0  }
0x5f: {  	[sflag:s3] =	ssyncadd.s32 $0xFFFFF600  }
0x60: {  	[tilespmem:s10], [sflag:$0x2] =	stream.indirect.gather [hbm4b:s4+s5], $0x10, s5, s5, $0xb8;
	[tilespmem:$0x15400] =	vst v63  }
0x61: {  	_ =	swait.ge [sflag:s11], $0xA000  }
0x62: {  	s26 =	sshll.u32 s26, $0x1;
	[sflag:s11] =	ssyncset.done $0x0  }
0x63: {  	s26 =	sadd.s32 s0, s26;
	[sflag:s11] =	ssyncadd.s32 $0xFFFF6000  }
0x64: {  	[hbm4b:s26+s2] =	stream.linear.scatter [tilespmem:s10], [sflag:$0x4], $0xA000, $0x38;
	[tilespmem:$0x15400] =	vst v63  }
0x65: {  	s29 =	sadd.s32 $0x5000, s31;
	_ =	swait.ge [sflag:s13], $0xA000  }
0x66: {  	s28 =	sshrl.u32 s29, $0x3;
	[sflag:s13] =	ssyncset.done $0x0  }
0x67: {  	s28 =	sadd.s32 s30, s28;
	[sflag:s13] =	ssyncadd.s32 $0xFFFF6000  }
0x68: {  	[tilespmem:s2], [sflag:$0x5] =	stream.linear.gather [hbm4b:s28+s2], $0xA00, $0x38;
	[tilespmem:$0x15400] =	vst v63  }
0x69: {  	_ =	swait.ge [sflag:s3], $0xA00  }
0x6a: {  	[sflag:s3] =	ssyncset.done $0x0  }
0x6b: {  	[sflag:s3] =	ssyncadd.s32 $0xFFFFF600  }
0x6c: {  	[tilespmem:s6], [sflag:$0x1] =	stream.indirect.gather [hbm4b:s4+s5], $0x10, s2, s5, $0xb8;
	[tilespmem:$0x15400] =	vst v63  }
0x6d: {  	_ =	swait.ge [sflag:s7], $0xA000  }
0x6e: {  	s29 =	sshll.u32 s29, $0x1;
	[sflag:s7] =	ssyncset.done $0x0  }
0x6f: {  	s29 =	sadd.s32 s0, s29;
	[sflag:s7] =	ssyncadd.s32 $0xFFFF6000  }
0x70: {  	[hbm4b:s29+s2] =	stream.linear.scatter [tilespmem:s6], [sflag:$0x3], $0xA000, $0x38;
	[tilespmem:$0x15400] =	vst v63  }
0x71: {  	s31 =	sadd.s32 $0x5A00, s31;
	_ =	swait.ge [sflag:s15], $0xA000  }
0x72: {  	s1 =	sshrl.u32 s31, $0x3;
	[sflag:s15] =	ssyncset.done $0x0  }
0x73: {  	s30 =	sadd.s32 s30, s1;
	[sflag:s15] =	ssyncadd.s32 $0xFFFF6000  }
0x74: {  	[tilespmem:s5], [sflag:$0x5] =	stream.linear.gather [hbm4b:s30+s2], $0xA00, $0x38;
	[tilespmem:$0x15400] =	vst v63  }
0x75: {  	_ =	swait.ge [sflag:s3], $0xA00  }
0x76: {  	[sflag:s3] =	ssyncset.done $0x0  }
0x77: {  	[sflag:s3] =	ssyncadd.s32 $0xFFFFF600  }
0x78: {  	[tilespmem:s10], [sflag:$0x2] =	stream.indirect.gather [hbm4b:s4+s5], $0x10, s5, s5, $0xb8;
	[tilespmem:$0x15400] =	vst v63  }
0x79: {  	s1 =	sshll.u32 s31, $0x1;
	_ =	swait.ge [sflag:s11], $0xA000  }
0x7a: {  	s31 =	sadd.s32 s0, s1;
	[sflag:s11] =	ssyncset.done $0x0;
	s1 =	rddreg [dreg:$0x4]  }
0x7b: {  	s0 =	ssub.s32 $0x2, s1;
	[sflag:s11] =	ssyncadd.s32 $0xFFFF6000  }
0x7c: {  	[hbm4b:s31+s2] =	stream.linear.scatter [tilespmem:s10], [sflag:$0x4], $0xA000, $0x38;
	[tilespmem:$0x15400] =	vst v63  }
0x7d: {  	s1 =	sshrl.u32 s0, $0x1  }
0x7e: {  	s0 =	ssub.s32 s0, s1  }
0x7f: {  	s0 =	smax.u32 s0, $0x1  }
0x80: {  	p0 =	sne.s32 s0, $0x1  }
.Ltmp0:
0x81: {  	_ =	swait.ge [sflag:s13], $0xA000;
	(pc) =	sbr.rel @!p0 .LBB2_2-.Ltmp0, $4  }
0x82: {  	[sflag:s13] =	ssyncset.done $0x0  }
0x83: {  	[sflag:s13] =	ssyncadd.s32 $0xFFFF6000  }
0x84: {  	_ =	swait.ge [sflag:s15], $0xA000  }
0x85: {  	s1 =	sadd.s32 $0xFFFFFFFF, s0;
	[sflag:s15] =	ssyncset.done $0x0  }
.LBB2_1:
0x86: {  	s0 =	rddreg [dreg:$0x3];
	[sflag:s15] =	ssyncadd.s32 $0xFFFF6000  }
0x87: {  	[tilespmem:s2], [sflag:$0x5] =	stream.linear.gather [hbm4b:s0+s2], $0xA00, $0x38;
	[tilespmem:$0x15400] =	vst v63  }
0x88: {  	_ =	swait.ge [sflag:s3], $0xA00  }
0x89: {  	[sflag:s3] =	ssyncset.done $0x0  }
0x8a: {  	[sflag:s3] =	ssyncadd.s32 $0xFFFFF600  }
0x8b: {  	[tilespmem:s6], [sflag:$0x1] =	stream.indirect.gather [hbm4b:s4+s5], $0x10, s2, s5, $0xb8;
	[tilespmem:$0x15400] =	vst v63  }
0x8c: {  	_ =	swait.ge [sflag:s7], $0xA000  }
0x8d: {  	[sflag:s7] =	ssyncset.done $0x0  }
0x8e: {  	[sflag:s7] =	ssyncadd.s32 $0xFFFF6000  }
0x8f: {  	[hbm4b:s8+s2] =	stream.linear.scatter [tilespmem:s6], [sflag:$0x3], $0xA000, $0x38;
	[tilespmem:$0x15400] =	vst v63  }
0x90: {  	_ = 	snop  }
0x91: {  	[tilespmem:s5], [sflag:$0x5] =	stream.linear.gather [hbm4b:s9+s2], $0xA00, $0x38;
	[tilespmem:$0x15400] =	vst v63  }
0x92: {  	_ =	swait.ge [sflag:s3], $0xA00  }
0x93: {  	[sflag:s3] =	ssyncset.done $0x0  }
0x94: {  	[sflag:s3] =	ssyncadd.s32 $0xFFFFF600  }
0x95: {  	[tilespmem:s10], [sflag:$0x2] =	stream.indirect.gather [hbm4b:s4+s5], $0x10, s5, s5, $0xb8;
	[tilespmem:$0x15400] =	vst v63  }
0x96: {  	_ =	swait.ge [sflag:s11], $0xA000  }
0x97: {  	[sflag:s11] =	ssyncset.done $0x0  }
0x98: {  	[sflag:s11] =	ssyncadd.s32 $0xFFFF6000  }
0x99: {  	[hbm4b:s12+s2] =	stream.linear.scatter [tilespmem:s10], [sflag:$0x4], $0xA000, $0x38;
	[tilespmem:$0x15400] =	vst v63  }
0x9a: {  	_ =	swait.ge [sflag:s13], $0xA000  }
0x9b: {  	[sflag:s13] =	ssyncset.done $0x0  }
0x9c: {  	[sflag:s13] =	ssyncadd.s32 $0xFFFF6000  }
0x9d: {  	[tilespmem:s2], [sflag:$0x5] =	stream.linear.gather [hbm4b:s14+s2], $0xA00, $0x38;
	[tilespmem:$0x15400] =	vst v63  }
0x9e: {  	_ =	swait.ge [sflag:s3], $0xA00  }
0x9f: {  	[sflag:s3] =	ssyncset.done $0x0  }
0xa0: {  	[sflag:s3] =	ssyncadd.s32 $0xFFFFF600  }
0xa1: {  	[tilespmem:s6], [sflag:$0x1] =	stream.indirect.gather [hbm4b:s4+s5], $0x10, s2, s5, $0xb8;
	[tilespmem:$0x15400] =	vst v63  }
0xa2: {  	_ =	swait.ge [sflag:s7], $0xA000  }
0xa3: {  	[sflag:s7] =	ssyncset.done $0x0  }
0xa4: {  	[sflag:s7] =	ssyncadd.s32 $0xFFFF6000  }
0xa5: {  	[hbm4b:s16+s2] =	stream.linear.scatter [tilespmem:s6], [sflag:$0x3], $0xA000, $0x38;
	[tilespmem:$0x15400] =	vst v63  }
0xa6: {  	_ =	swait.ge [sflag:s15], $0xA000  }
0xa7: {  	[sflag:s15] =	ssyncset.done $0x0  }
0xa8: {  	[sflag:s15] =	ssyncadd.s32 $0xFFFF6000  }
0xa9: {  	[tilespmem:s5], [sflag:$0x5] =	stream.linear.gather [hbm4b:s17+s2], $0xA00, $0x38;
	[tilespmem:$0x15400] =	vst v63  }
0xaa: {  	_ =	swait.ge [sflag:s3], $0xA00  }
0xab: {  	[sflag:s3] =	ssyncset.done $0x0  }
0xac: {  	[sflag:s3] =	ssyncadd.s32 $0xFFFFF600  }
0xad: {  	[tilespmem:s10], [sflag:$0x2] =	stream.indirect.gather [hbm4b:s4+s5], $0x10, s5, s5, $0xb8;
	[tilespmem:$0x15400] =	vst v63  }
0xae: {  	_ =	swait.ge [sflag:s11], $0xA000  }
0xaf: {  	[sflag:s11] =	ssyncset.done $0x0  }
0xb0: {  	[sflag:s11] =	ssyncadd.s32 $0xFFFF6000  }
0xb1: {  	[hbm4b:s18+s2] =	stream.linear.scatter [tilespmem:s10], [sflag:$0x4], $0xA000, $0x38;
	[tilespmem:$0x15400] =	vst v63  }
0xb2: {  	_ =	swait.ge [sflag:s13], $0xA000  }
0xb3: {  	[sflag:s13] =	ssyncset.done $0x0  }
0xb4: {  	[sflag:s13] =	ssyncadd.s32 $0xFFFF6000  }
0xb5: {  	[tilespmem:s2], [sflag:$0x5] =	stream.linear.gather [hbm4b:s19+s2], $0xA00, $0x38;
	[tilespmem:$0x15400] =	vst v63  }
0xb6: {  	_ =	swait.ge [sflag:s3], $0xA00  }
0xb7: {  	[sflag:s3] =	ssyncset.done $0x0  }
0xb8: {  	[sflag:s3] =	ssyncadd.s32 $0xFFFFF600  }
0xb9: {  	[tilespmem:s6], [sflag:$0x1] =	stream.indirect.gather [hbm4b:s4+s5], $0x10, s2, s5, $0xb8;
	[tilespmem:$0x15400] =	vst v63  }
0xba: {  	_ =	swait.ge [sflag:s7], $0xA000  }
0xbb: {  	[sflag:s7] =	ssyncset.done $0x0  }
0xbc: {  	[sflag:s7] =	ssyncadd.s32 $0xFFFF6000  }
0xbd: {  	[hbm4b:s20+s2] =	stream.linear.scatter [tilespmem:s6], [sflag:$0x3], $0xA000, $0x38;
	[tilespmem:$0x15400] =	vst v63  }
0xbe: {  	_ =	swait.ge [sflag:s15], $0xA000  }
0xbf: {  	[sflag:s15] =	ssyncset.done $0x0  }
0xc0: {  	[sflag:s15] =	ssyncadd.s32 $0xFFFF6000  }
0xc1: {  	[tilespmem:s5], [sflag:$0x5] =	stream.linear.gather [hbm4b:s21+s2], $0xA00, $0x38;
	[tilespmem:$0x15400] =	vst v63  }
0xc2: {  	_ =	swait.ge [sflag:s3], $0xA00  }
0xc3: {  	[sflag:s3] =	ssyncset.done $0x0  }
0xc4: {  	[sflag:s3] =	ssyncadd.s32 $0xFFFFF600  }
0xc5: {  	[tilespmem:s10], [sflag:$0x2] =	stream.indirect.gather [hbm4b:s4+s5], $0x10, s5, s5, $0xb8;
	[tilespmem:$0x15400] =	vst v63  }
0xc6: {  	_ =	swait.ge [sflag:s11], $0xA000  }
0xc7: {  	[sflag:s11] =	ssyncset.done $0x0  }
0xc8: {  	[sflag:s11] =	ssyncadd.s32 $0xFFFF6000  }
0xc9: {  	[hbm4b:s22+s2] =	stream.linear.scatter [tilespmem:s10], [sflag:$0x4], $0xA000, $0x38;
	[tilespmem:$0x15400] =	vst v63  }
0xca: {  	_ =	swait.ge [sflag:s13], $0xA000  }
0xcb: {  	[sflag:s13] =	ssyncset.done $0x0  }
0xcc: {  	[sflag:s13] =	ssyncadd.s32 $0xFFFF6000  }
0xcd: {  	[tilespmem:s2], [sflag:$0x5] =	stream.linear.gather [hbm4b:s23+s2], $0xA00, $0x38;
	[tilespmem:$0x15400] =	vst v63  }
0xce: {  	_ =	swait.ge [sflag:s3], $0xA00  }
0xcf: {  	[sflag:s3] =	ssyncset.done $0x0  }
0xd0: {  	[sflag:s3] =	ssyncadd.s32 $0xFFFFF600  }
0xd1: {  	[tilespmem:s6], [sflag:$0x1] =	stream.indirect.gather [hbm4b:s4+s5], $0x10, s2, s5, $0xb8;
	[tilespmem:$0x15400] =	vst v63  }
0xd2: {  	_ =	swait.ge [sflag:s7], $0xA000  }
0xd3: {  	[sflag:s7] =	ssyncset.done $0x0  }
0xd4: {  	[sflag:s7] =	ssyncadd.s32 $0xFFFF6000  }
0xd5: {  	[hbm4b:s24+s2] =	stream.linear.scatter [tilespmem:s6], [sflag:$0x3], $0xA000, $0x38;
	[tilespmem:$0x15400] =	vst v63  }
0xd6: {  	_ =	swait.ge [sflag:s15], $0xA000  }
0xd7: {  	[sflag:s15] =	ssyncset.done $0x0  }
0xd8: {  	[sflag:s15] =	ssyncadd.s32 $0xFFFF6000  }
0xd9: {  	[tilespmem:s5], [sflag:$0x5] =	stream.linear.gather [hbm4b:s25+s2], $0xA00, $0x38;
	[tilespmem:$0x15400] =	vst v63  }
0xda: {  	_ =	swait.ge [sflag:s3], $0xA00  }
0xdb: {  	[sflag:s3] =	ssyncset.done $0x0  }
0xdc: {  	[sflag:s3] =	ssyncadd.s32 $0xFFFFF600  }
0xdd: {  	[tilespmem:s10], [sflag:$0x2] =	stream.indirect.gather [hbm4b:s4+s5], $0x10, s5, s5, $0xb8;
	[tilespmem:$0x15400] =	vst v63  }
0xde: {  	_ =	swait.ge [sflag:s11], $0xA000  }
0xdf: {  	[sflag:s11] =	ssyncset.done $0x0  }
0xe0: {  	[sflag:s11] =	ssyncadd.s32 $0xFFFF6000  }
0xe1: {  	[hbm4b:s26+s2] =	stream.linear.scatter [tilespmem:s10], [sflag:$0x4], $0xA000, $0x38;
	[tilespmem:$0x15400] =	vst v63  }
0xe2: {  	_ =	swait.ge [sflag:s13], $0xA000  }
0xe3: {  	[sflag:s13] =	ssyncset.done $0x0  }
0xe4: {  	[sflag:s13] =	ssyncadd.s32 $0xFFFF6000  }
0xe5: {  	[tilespmem:s2], [sflag:$0x5] =	stream.linear.gather [hbm4b:s28+s2], $0xA00, $0x38;
	[tilespmem:$0x15400] =	vst v63  }
0xe6: {  	_ =	swait.ge [sflag:s3], $0xA00  }
0xe7: {  	[sflag:s3] =	ssyncset.done $0x0  }
0xe8: {  	[sflag:s3] =	ssyncadd.s32 $0xFFFFF600  }
0xe9: {  	[tilespmem:s6], [sflag:$0x1] =	stream.indirect.gather [hbm4b:s4+s5], $0x10, s2, s5, $0xb8;
	[tilespmem:$0x15400] =	vst v63  }
0xea: {  	_ =	swait.ge [sflag:s7], $0xA000  }
0xeb: {  	[sflag:s7] =	ssyncset.done $0x0  }
0xec: {  	[sflag:s7] =	ssyncadd.s32 $0xFFFF6000  }
0xed: {  	[hbm4b:s29+s2] =	stream.linear.scatter [tilespmem:s6], [sflag:$0x3], $0xA000, $0x38;
	[tilespmem:$0x15400] =	vst v63  }
0xee: {  	_ =	swait.ge [sflag:s15], $0xA000  }
0xef: {  	[sflag:s15] =	ssyncset.done $0x0  }
0xf0: {  	[sflag:s15] =	ssyncadd.s32 $0xFFFF6000  }
0xf1: {  	[tilespmem:s5], [sflag:$0x5] =	stream.linear.gather [hbm4b:s30+s2], $0xA00, $0x38;
	[tilespmem:$0x15400] =	vst v63  }
0xf2: {  	_ =	swait.ge [sflag:s3], $0xA00  }
0xf3: {  	[sflag:s3] =	ssyncset.done $0x0  }
0xf4: {  	[sflag:s3] =	ssyncadd.s32 $0xFFFFF600  }
0xf5: {  	[tilespmem:s10], [sflag:$0x2] =	stream.indirect.gather [hbm4b:s4+s5], $0x10, s5, s5, $0xb8;
	[tilespmem:$0x15400] =	vst v63  }
0xf6: {  	_ =	swait.ge [sflag:s11], $0xA000  }
0xf7: {  	[sflag:s11] =	ssyncset.done $0x0  }
0xf8: {  	p0 =	sne.s32 s1, $0x1;
	[sflag:s11] =	ssyncadd.s32 $0xFFFF6000  }
0xf9: {  	[hbm4b:s31+s2] =	stream.linear.scatter [tilespmem:s10], [sflag:$0x4], $0xA000, $0x38;
	[tilespmem:$0x15400] =	vst v63  }
.Ltmp1:
0xfa: {  	_ =	swait.ge [sflag:s13], $0xA000;
	(pc) =	sbr.rel @p0 .LBB2_1-.Ltmp1, $4  }
0xfb: {  	[sflag:s13] =	ssyncset.done $0x0  }
0xfc: {  	[sflag:s13] =	ssyncadd.s32 $0xFFFF6000  }
0xfd: {  	_ =	swait.ge [sflag:s15], $0xA000  }
0xfe: {  	s1 =	sadd.s32 $0xFFFFFFFF, s1;
	[sflag:s15] =	ssyncset.done $0x0  }
.LBB2_2:
0xff: {  	[sflag:s15] =	ssyncadd.s32 $0xFFFF6000  }
0x100: {  	_ =	sfence.sel $0x180000  }
0x101: {  	[bflag:$0x0] =	sbarrier.arrive $0xFFFF  }
0x102: {  	_ =	strace $0x90000047  }
0x103: {  	s0 =	stileid.u32;
	[bflag:$0x2] =	sbarrier.arrive $0xFFFF  }
0x104: {  	p0 =	sne.s32 s0, $0x0;
	s0 =	rddreg [dreg:$0x2]  }
0x105: {  	s0 =	sadd.s32 @!p0 $0x100000, s0  }
0x106: {  	[sflag:s0] =	ssyncadd.tile.s32 @!p0 $0x1;
	_ =	shalt  }
.Lfunc_end2:
_tile_overlayer_lowered:
.L_overlay_start_2:
0x107: {  	(tag) =	ssettag $0x2  }
0x108: {  	s0 =	rddreg [dreg:$0x0];
	s2 =	stileid.u32  }
0x109: {  	s1 =	rddreg [dreg:$0x1];
	p0 =	sne.s32 s2, $0x0  }
0x10a: {  	s3 =	rddreg [dreg:$0x2];
	[bflag:$0x3] =	sbarrier.arrive $0xFFFF;
	s2 =	simm.s32 @!p0 $0x1C05  }
0x10b: {  	[timem:s3], [sflag:s2] =	dma.local @!p0 [hbm:s0], s1  }
0x10c: {  	s0 =	simm.s32 @!p0 $0x5  }
0x10d: {  	_ =	swait.ge @!p0 [sflag:s0], s1  }
0x10e: {  	s1 =	ssub.s32 @!p0 $0x0, s1;
	[sflag:s0] =	ssyncset.done @!p0 $0x0  }
0x10f: {  	[sflag:s0] =	ssyncadd.s32 @!p0 s1  }
0x110: {  	[bflag:$0x3] =	sbarrier.arrive $0xFFFF  }
0x111: {  	_ =	shalt  }

</sc_bundles>
